<compile_context>
chip_gen: v7x
topology: tpu7x:2x2x1
jax: 0.10.2.dev20260603
libtpu: 0.0.44.dev20260713+nightly
codegen_flags: <defaults>
</compile_context>

<pallas_src>
import functools

import jax
import jax.numpy as jnp
import numpy as np
from jax import lax
from jax.experimental import pallas as pl
from jax.experimental.pallas import tpu as pltpu
from jax.experimental.pallas import tpu_sc as plsc

D_MODEL = 128

_NC = 2
_NS = 16
_NW = _NC * _NS

_G = 80
_C = _G
_NBUF = 4
_PF = 2
_GPF = 2


def _gather_add(xf, idx2, iota, table):
    B = xf.shape[0]
    b_per_w = B // _NW
    n = b_per_w // _C
    assert n % _NBUF == 0

    mesh = plsc.VectorSubcoreMesh(
        core_axis_name="c", subcore_axis_name="s",
        num_cores=_NC, num_subcores=_NS)

    @functools.partial(
        pl.kernel,
        mesh=mesh,
        out_type=jax.ShapeDtypeStruct((B, D_MODEL), jnp.float32),
        scratch_types=[
            pltpu.VMEM((n, _G), jnp.int32),
            pltpu.VMEM((_C,), jnp.int32),
            pltpu.VMEM((_NBUF, _C, D_MODEL), jnp.float32),
            pltpu.VMEM_SHARED((_NS, _NBUF, _C, D_MODEL), jnp.float32),
            [pltpu.SemaphoreType.DMA] * _NBUF,
            [pltpu.SemaphoreType.DMA] * _NBUF,
            [pltpu.SemaphoreType.DMA] * _NBUF,
            [pltpu.SemaphoreType.DMA] * _NBUF,
        ],
    )
    def k(x_hbm, idx_hbm, iota_hbm, table_hbm, out_hbm,
          idx_v, iota_v, gbuf, spm, sem_x, sem_g, sem_a, sem_o):
        sid = lax.axis_index("s")
        wid = sid * _NC + lax.axis_index("c")
        row0 = wid * b_per_w

        pltpu.sync_copy(idx_hbm.at[wid], idx_v)
        pltpu.sync_copy(iota_hbm, iota_v)

        def start_x(c, slot):
            pltpu.async_copy(
                x_hbm.at[pl.ds(row0 + c * _C, _C)], spm.at[sid, slot],
                sem_x[slot])

        def wait_x(c, slot):
            pltpu.make_async_copy(
                x_hbm.at[pl.ds(row0 + c * _C, _C)], spm.at[sid, slot],
                sem_x[slot]).wait()

        def wait_out(c, slot):
            pltpu.make_async_copy(
                spm.at[sid, slot], out_hbm.at[pl.ds(row0 + c * _C, _C)],
                sem_o[slot]).wait()

        def start_gather(c, slot):
            pltpu.async_copy(
                table_hbm.at[idx_v.at[c]], gbuf.at[slot], sem_g[slot])

        def wait_gather(c, slot):
            pltpu.make_async_copy(
                table_hbm.at[idx_v.at[c]], gbuf.at[slot],
                sem_g[slot]).wait()

        for b in range(_PF):
            start_x(b, b)
        for b in range(_GPF):
            start_gather(b, b)

        def outer(j, carry):
            for b in range(_NBUF):
                c = j * _NBUF + b

                @pl.when(c < n - _PF)
                def _():
                    slot_n = (b + _PF) % _NBUF

                    def drain_and_fetch():
                        wait_out(c - (_NBUF - _PF), slot_n)
                        start_x(c + _PF, slot_n)

                    if b < _NBUF - _PF:
                        @pl.when(j >= 1)
                        def _():
                            drain_and_fetch()

                        @pl.when(j < 1)
                        def _():
                            start_x(c + _PF, slot_n)
                    else:
                        drain_and_fetch()

                @pl.when(c < n - _GPF)
                def _():
                    start_gather(c + _GPF, (b + _GPF) % _NBUF)

                wait_x(c, b)
                wait_gather(c, b)
                pltpu.async_copy(
                    gbuf.at[b], spm.at[sid, b].at[iota_v], sem_a[b],
                    add=True).wait()
                pltpu.async_copy(
                    spm.at[sid, b], out_hbm.at[pl.ds(row0 + c * _C, _C)],
                    sem_o[b])
            return carry

        lax.fori_loop(0, n // _NBUF, outer, 0)

        for i in range(_NBUF):
            c = n - _NBUF + i
            wait_out(c, c % _NBUF)

    return k(xf, idx2, iota, table)


def kernel(x, time, embeddings):
    bt, s, d = x.shape
    b = bt * s
    xf = x.reshape(b, d)
    idx2 = time.reshape(_NW, b // (_NW * _G), _G).astype(jnp.int32)
    iota = jnp.asarray(np.arange(_C, dtype=np.int32))
    out = _gather_add(xf, idx2, iota, embeddings)
    return out.reshape(bt, s, d)

# --- scband reference (transcript-rebuilt; emitter-appended) ---
"""Pipeline reference for scband-temporal-encoding-52029233824068 (READ-ONLY COPY).

The authoritative reference and input builder live on the scoring server;
editing this copy changes nothing except your own understanding.
"""

import jax, jax.numpy as jnp
import numpy as np

MAX_TIME = 100000
D_MODEL = 128


def _make_table(max_time=MAX_TIME, d_model=D_MODEL):
    position = np.arange(0, max_time)[:, np.newaxis]
    div_term = np.exp(np.arange(0, d_model, 2) * -np.log(10000.0) / d_model)
    sinusoids = np.stack([np.sin(position * div_term), np.cos(position * div_term)], axis=-1)
    return jnp.asarray(sinusoids.reshape(max_time, -1), dtype=jnp.float32)


def setup_inputs(seed: int = 0) -> dict:
    key = jax.random.key(seed)
    k1, k2 = jax.random.split(key)
    x = jax.random.normal(k1, (1024, 200, D_MODEL), dtype=jnp.float32)
    time = jax.random.randint(k2, (1024, 200), 0, MAX_TIME)
    embeddings = _make_table()
    return {"x": x, "time": time, "embeddings": embeddings}


def reference(x, time, embeddings):
    # TemporalEncoding.forward: x + self.embeddings[time]
    # gather rows of the sinusoid table by integer time indices, add to x
    return x + jnp.take(embeddings, time, axis=0)

if __name__ == "__main__":
    import jax
    _d = setup_inputs()
    print(jax.jit(kernel)(*tuple(_d.values())))

</pallas_src>

<mosaic_0001>
#map = affine_map<(d0, d1) -> (0, 0)>
#map1 = affine_map<(d0, d1) -> (0, 0, 0)>
#map2 = affine_map<(d0, d1) -> (0)>
module attributes {stable_mosaic.version = 14 : i64} {
  func.func @k(%arg0: i32, %arg1: i32, %arg2: memref<204800x128xf32, #tpu.memory_space<hbm>>, %arg3: memref<32x80x80xi32, #tpu.memory_space<hbm>>, %arg4: memref<80xi32, #tpu.memory_space<hbm>>, %arg5: memref<100000x128xf32, #tpu.memory_space<hbm>>, %arg6: memref<204800x128xf32, #tpu.memory_space<hbm>>, %arg7: memref<80x80xi32, #tpu.memory_space<vmem>>, %arg8: memref<80xi32, #tpu.memory_space<vmem>>, %arg9: memref<4x80x128xf32, #tpu.memory_space<vmem>>, %arg10: memref<16x4x80x128xf32, #tpu.memory_space<vmem_shared>>, %arg11: memref<!tpu.dma_semaphore, #tpu.memory_space<semaphore_mem>>, %arg12: memref<!tpu.dma_semaphore, #tpu.memory_space<semaphore_mem>>, %arg13: memref<!tpu.dma_semaphore, #tpu.memory_space<semaphore_mem>>, %arg14: memref<!tpu.dma_semaphore, #tpu.memory_space<semaphore_mem>>, %arg15: memref<!tpu.dma_semaphore, #tpu.memory_space<semaphore_mem>>, %arg16: memref<!tpu.dma_semaphore, #tpu.memory_space<semaphore_mem>>, %arg17: memref<!tpu.dma_semaphore, #tpu.memory_space<semaphore_mem>>, %arg18: memref<!tpu.dma_semaphore, #tpu.memory_space<semaphore_mem>>, %arg19: memref<!tpu.dma_semaphore, #tpu.memory_space<semaphore_mem>>, %arg20: memref<!tpu.dma_semaphore, #tpu.memory_space<semaphore_mem>>, %arg21: memref<!tpu.dma_semaphore, #tpu.memory_space<semaphore_mem>>, %arg22: memref<!tpu.dma_semaphore, #tpu.memory_space<semaphore_mem>>, %arg23: memref<!tpu.dma_semaphore, #tpu.memory_space<semaphore_mem>>, %arg24: memref<!tpu.dma_semaphore, #tpu.memory_space<semaphore_mem>>, %arg25: memref<!tpu.dma_semaphore, #tpu.memory_space<semaphore_mem>>, %arg26: memref<!tpu.dma_semaphore, #tpu.memory_space<semaphore_mem>>) attributes {dimension_semantics = [#tpu.dimension_semantics<core_parallel>, #tpu.dimension_semantics<subcore_parallel>], iteration_bounds = array<i64: 2, 16>, scalar_prefetch = 0 : i64, scratch_operands = 20 : i64, tpu.core_type = #tpu.core_type<sc_vector_subcore>, window_params = [{transform_indices = #map}, {transform_indices = #map1}, {transform_indices = #map2}, {transform_indices = #map}, {transform_indices = #map}]} {
    %mul3A = arith.constant 2 : i32
    %mul3A_0 = arith.muli %arg1, %mul3A : i32
    %add3A = arith.addi %mul3A_0, %arg0 : i32
    %mul3A_1 = arith.constant 6400 : i32
    %mul3A_2 = arith.muli %add3A, %mul3A_1 : i32
    "tpu.region"() ({
      %run_scoped3A = tpu.sem_alloc : memref<!tpu.dma_semaphore, #tpu.memory_space<semaphore_mem>>
      %dma_start3A_84 = arith.constant 0 : i32
      %dma_start3A_85 = arith.constant 0 : i32
      %dma_start3A_86 = tpu.memref_slice %arg3[%add3A, %dma_start3A_84, %dma_start3A_85] : memref<32x80x80xi32, #tpu.memory_space<hbm>> -> memref<1x80x80xi32, #tpu.memory_space<hbm>>
      %dma_start3A_87 = tpu.memref_squeeze %dma_start3A_86 : memref<1x80x80xi32, #tpu.memory_space<hbm>> -> memref<80x80xi32, #tpu.memory_space<hbm>>
      %dma_start3A_88 = arith.constant 0 : i32
      %dma_start3A_89 = arith.constant 0 : i32
      %dma_start3A_90 = tpu.memref_slice %arg3[%add3A, %dma_start3A_88, %dma_start3A_89] : memref<32x80x80xi32, #tpu.memory_space<hbm>> -> memref<1x80x80xi32, #tpu.memory_space<hbm>>
      %dma_start3A_91 = tpu.memref_squeeze %dma_start3A_90 : memref<1x80x80xi32, #tpu.memory_space<hbm>> -> memref<80x80xi32, #tpu.memory_space<hbm>>
      tpu.enqueue_dma source(%dma_start3A_91 : memref<80x80xi32, #tpu.memory_space<hbm>>) target(%arg7 : memref<80x80xi32, #tpu.memory_space<vmem>>) target_semaphore(%run_scoped3A : memref<!tpu.dma_semaphore, #tpu.memory_space<semaphore_mem>>)
      %dma_wait3A_92 = arith.constant 0 : i32
      %dma_wait3A_93 = arith.constant 0 : i32
      %dma_wait3A_94 = tpu.memref_slice %arg3[%add3A, %dma_wait3A_92, %dma_wait3A_93] : memref<32x80x80xi32, #tpu.memory_space<hbm>> -> memref<1x80x80xi32, #tpu.memory_space<hbm>>
      %dma_wait3A_95 = tpu.memref_squeeze %dma_wait3A_94 : memref<1x80x80xi32, #tpu.memory_space<hbm>> -> memref<80x80xi32, #tpu.memory_space<hbm>>
      %dma_wait3A_96 = arith.constant 0 : i32
      %dma_wait3A_97 = arith.constant 0 : i32
      %dma_wait3A_98 = tpu.memref_slice %arg3[%add3A, %dma_wait3A_96, %dma_wait3A_97] : memref<32x80x80xi32, #tpu.memory_space<hbm>> -> memref<1x80x80xi32, #tpu.memory_space<hbm>>
      %dma_wait3A_99 = tpu.memref_squeeze %dma_wait3A_98 : memref<1x80x80xi32, #tpu.memory_space<hbm>> -> memref<80x80xi32, #tpu.memory_space<hbm>>
      tpu.wait_dma2 semaphore(%run_scoped3A : memref<!tpu.dma_semaphore, #tpu.memory_space<semaphore_mem>>) src(%dma_wait3A_99 : memref<80x80xi32, #tpu.memory_space<hbm>>) dst(%arg7 : memref<80x80xi32, #tpu.memory_space<vmem>>)
      tpu.yield
    }) : () -> ()
    "tpu.region"() ({
      %run_scoped3A = tpu.sem_alloc : memref<!tpu.dma_semaphore, #tpu.memory_space<semaphore_mem>>
      tpu.enqueue_dma source(%arg4 : memref<80xi32, #tpu.memory_space<hbm>>) target(%arg8 : memref<80xi32, #tpu.memory_space<vmem>>) target_semaphore(%run_scoped3A : memref<!tpu.dma_semaphore, #tpu.memory_space<semaphore_mem>>)
      tpu.wait_dma2 semaphore(%run_scoped3A : memref<!tpu.dma_semaphore, #tpu.memory_space<semaphore_mem>>) src(%arg4 : memref<80xi32, #tpu.memory_space<hbm>>) dst(%arg8 : memref<80xi32, #tpu.memory_space<vmem>>)
      tpu.yield
    }) : () -> ()
    %add3A_3 = arith.constant 0 : i32
    %add3A_4 = arith.addi %mul3A_2, %add3A_3 : i32
    %dma_start3A = arith.constant 0 : i32
    %dma_start3A_5 = arith.constant 0 : i32
    %dma_start3A_6 = arith.constant 0 : i32
    %dma_start3A_7 = tpu.memref_slice %arg10[%arg1, %dma_start3A, %dma_start3A_5, %dma_start3A_6] : memref<16x4x80x128xf32, #tpu.memory_space<vmem_shared>> -> memref<1x1x80x128xf32, #tpu.memory_space<vmem_shared>>
    %dma_start3A_8 = tpu.memref_squeeze %dma_start3A_7 : memref<1x1x80x128xf32, #tpu.memory_space<vmem_shared>> -> memref<80x128xf32, #tpu.memory_space<vmem_shared>>
    %dma_start3A_9 = arith.constant 0 : i32
    %dma_start3A_10 = tpu.memref_slice %arg2[%add3A_4, %dma_start3A_9] : memref<204800x128xf32, #tpu.memory_space<hbm>> -> memref<80x128xf32, #tpu.memory_space<hbm>>
    tpu.enqueue_dma source(%dma_start3A_10 : memref<80x128xf32, #tpu.memory_space<hbm>>) target(%dma_start3A_8 : memref<80x128xf32, #tpu.memory_space<vmem_shared>>) target_semaphore(%arg11 : memref<!tpu.dma_semaphore, #tpu.memory_space<semaphore_mem>>)
    %add3A_11 = arith.constant 80 : i32
    %add3A_12 = arith.addi %mul3A_2, %add3A_11 : i32
    %dma_start3A_13 = arith.constant 1 : i32
    %dma_start3A_14 = arith.constant 0 : i32
    %dma_start3A_15 = arith.constant 0 : i32
    %dma_start3A_16 = tpu.memref_slice %arg10[%arg1, %dma_start3A_13, %dma_start3A_14, %dma_start3A_15] : memref<16x4x80x128xf32, #tpu.memory_space<vmem_shared>> -> memref<1x1x80x128xf32, #tpu.memory_space<vmem_shared>>
    %dma_start3A_17 = tpu.memref_squeeze %dma_start3A_16 : memref<1x1x80x128xf32, #tpu.memory_space<vmem_shared>> -> memref<80x128xf32, #tpu.memory_space<vmem_shared>>
    %dma_start3A_18 = arith.constant 0 : i32
    %dma_start3A_19 = tpu.memref_slice %arg2[%add3A_12, %dma_start3A_18] : memref<204800x128xf32, #tpu.memory_space<hbm>> -> memref<80x128xf32, #tpu.memory_space<hbm>>
    tpu.enqueue_dma source(%dma_start3A_19 : memref<80x128xf32, #tpu.memory_space<hbm>>) target(%dma_start3A_17 : memref<80x128xf32, #tpu.memory_space<vmem_shared>>) target_semaphore(%arg12 : memref<!tpu.dma_semaphore, #tpu.memory_space<semaphore_mem>>)
    %dma_start3A_20 = arith.constant 0 : i32
    %dma_start3A_21 = arith.constant 0 : i32
    %dma_start3A_22 = arith.constant 0 : i32
    %dma_start3A_23 = arith.constant 0 : i32
    %dma_start3A_24 = tpu.memref_slice %arg9[%dma_start3A_21, %dma_start3A_22, %dma_start3A_23] : memref<4x80x128xf32, #tpu.memory_space<vmem>> -> memref<1x80x128xf32, #tpu.memory_space<vmem>>
    %dma_start3A_25 = tpu.memref_squeeze %dma_start3A_24 : memref<1x80x128xf32, #tpu.memory_space<vmem>> -> memref<80x128xf32, #tpu.memory_space<vmem>>
    %dma_start3A_26 = arith.constant 0 : i32
    %dma_start3A_27 = tpu.memref_slice %arg7[%dma_start3A_20, %dma_start3A_26] : memref<80x80xi32, #tpu.memory_space<vmem>> -> memref<1x80xi32, #tpu.memory_space<vmem>>
    %dma_start3A_28 = tpu.memref_squeeze %dma_start3A_27 : memref<1x80xi32, #tpu.memory_space<vmem>> -> memref<80xi32, #tpu.memory_space<vmem>>
    %dma_start3A_29 = arith.constant 0 : i32
    %dma_start3A_30 = arith.constant 0 : i32
    %dma_start3A_31 = tpu.memref_slice %arg5[%dma_start3A_29, %dma_start3A_30] : memref<100000x128xf32, #tpu.memory_space<hbm>> -> memref<100000x128xf32, #tpu.memory_space<hbm>>
    tpu.enqueue_indirect_dma source(%dma_start3A_31 : memref<100000x128xf32, #tpu.memory_space<hbm>>) target(%dma_start3A_25 : memref<80x128xf32, #tpu.memory_space<vmem>>) offsets(%dma_start3A_28 : memref<80xi32, #tpu.memory_space<vmem>>) semaphore(%arg15 : memref<!tpu.dma_semaphore, #tpu.memory_space<semaphore_mem>>)
    %dma_start3A_32 = arith.constant 1 : i32
    %dma_start3A_33 = arith.constant 1 : i32
    %dma_start3A_34 = arith.constant 0 : i32
    %dma_start3A_35 = arith.constant 0 : i32
    %dma_start3A_36 = tpu.memref_slice %arg9[%dma_start3A_33, %dma_start3A_34, %dma_start3A_35] : memref<4x80x128xf32, #tpu.memory_space<vmem>> -> memref<1x80x128xf32, #tpu.memory_space<vmem>>
    %dma_start3A_37 = tpu.memref_squeeze %dma_start3A_36 : memref<1x80x128xf32, #tpu.memory_space<vmem>> -> memref<80x128xf32, #tpu.memory_space<vmem>>
    %dma_start3A_38 = arith.constant 0 : i32
    %dma_start3A_39 = tpu.memref_slice %arg7[%dma_start3A_32, %dma_start3A_38] : memref<80x80xi32, #tpu.memory_space<vmem>> -> memref<1x80xi32, #tpu.memory_space<vmem>>
    %dma_start3A_40 = tpu.memref_squeeze %dma_start3A_39 : memref<1x80xi32, #tpu.memory_space<vmem>> -> memref<80xi32, #tpu.memory_space<vmem>>
    %dma_start3A_41 = arith.constant 0 : i32
    %dma_start3A_42 = arith.constant 0 : i32
    %dma_start3A_43 = tpu.memref_slice %arg5[%dma_start3A_41, %dma_start3A_42] : memref<100000x128xf32, #tpu.memory_space<hbm>> -> memref<100000x128xf32, #tpu.memory_space<hbm>>
    tpu.enqueue_indirect_dma source(%dma_start3A_43 : memref<100000x128xf32, #tpu.memory_space<hbm>>) target(%dma_start3A_37 : memref<80x128xf32, #tpu.memory_space<vmem>>) offsets(%dma_start3A_40 : memref<80xi32, #tpu.memory_space<vmem>>) semaphore(%arg16 : memref<!tpu.dma_semaphore, #tpu.memory_space<semaphore_mem>>)
    %scan3A = arith.constant 0 : i32
    %scan3A_44 = arith.constant 0 : i32
    %scan3A_45 = arith.constant 20 : i32
    %scan3A_46 = arith.addi %scan3A_44, %scan3A_45 : i32
    %scan3A_47 = arith.constant 1 : i32
    scf.for %scan3A_84 = %scan3A_44 to %scan3A_46 step %scan3A_47  : i32 {
      %mul3A_85 = arith.constant 4 : i32
      %mul3A_86 = arith.muli %scan3A_84, %mul3A_85 : i32
      %add3A_87 = arith.constant 0 : i32
      %add3A_88 = arith.addi %mul3A_86, %add3A_87 : i32
      %lt3A = arith.constant 78 : i32
      %lt3A_89 = arith.cmpi slt, %add3A_88, %lt3A : i32
      %convert_element_type3A = arith.extui %lt3A_89 : i1 to i32
      %cond3A = arith.constant 0 : i32
      %cond3A_90 = arith.cmpi ne, %convert_element_type3A, %cond3A : i32
      scf.if %cond3A_90 {
        %ge3A = arith.constant 1 : i32
        %ge3A_366 = arith.cmpi sge, %scan3A_84, %ge3A : i32
        %convert_element_type3A_367 = arith.extui %ge3A_366 : i1 to i32
        %cond3A_368 = arith.constant 0 : i32
        %cond3A_369 = arith.cmpi ne, %convert_element_type3A_367, %cond3A_368 : i32
        scf.if %cond3A_369 {
          %sub3A = arith.constant 2 : i32
          %sub3A_375 = arith.subi %add3A_88, %sub3A : i32
          %mul3A_376 = arith.constant 80 : i32
          %mul3A_377 = arith.muli %sub3A_375, %mul3A_376 : i32
          %add3A_378 = arith.addi %mul3A_2, %mul3A_377 : i32
          %dma_wait3A_379 = arith.constant 2 : i32
          %dma_wait3A_380 = arith.constant 0 : i32
          %dma_wait3A_381 = tpu.memref_slice %arg6[%add3A_378, %dma_wait3A_380] : memref<204800x128xf32, #tpu.memory_space<hbm>> -> memref<80x128xf32, #tpu.memory_space<hbm>>
          %dma_wait3A_382 = arith.constant 0 : i32
          %dma_wait3A_383 = arith.constant 0 : i32
          %dma_wait3A_384 = tpu.memref_slice %arg10[%arg1, %dma_wait3A_379, %dma_wait3A_382, %dma_wait3A_383] : memref<16x4x80x128xf32, #tpu.memory_space<vmem_shared>> -> memref<1x1x80x128xf32, #tpu.memory_space<vmem_shared>>
          %dma_wait3A_385 = tpu.memref_squeeze %dma_wait3A_384 : memref<1x1x80x128xf32, #tpu.memory_space<vmem_shared>> -> memref<80x128xf32, #tpu.memory_space<vmem_shared>>
          tpu.wait_dma2 semaphore(%arg25 : memref<!tpu.dma_semaphore, #tpu.memory_space<semaphore_mem>>) src(%dma_wait3A_385 : memref<80x128xf32, #tpu.memory_space<vmem_shared>>) dst(%dma_wait3A_381 : memref<80x128xf32, #tpu.memory_space<hbm>>)
          %add3A_386 = arith.constant 2 : i32
          %add3A_387 = arith.addi %add3A_88, %add3A_386 : i32
          %mul3A_388 = arith.constant 80 : i32
          %mul3A_389 = arith.muli %add3A_387, %mul3A_388 : i32
          %add3A_390 = arith.addi %mul3A_2, %mul3A_389 : i32
          %dma_start3A_391 = arith.constant 2 : i32
          %dma_start3A_392 = arith.constant 0 : i32
          %dma_start3A_393 = arith.constant 0 : i32
          %dma_start3A_394 = tpu.memref_slice %arg10[%arg1, %dma_start3A_391, %dma_start3A_392, %dma_start3A_393] : memref<16x4x80x128xf32, #tpu.memory_space<vmem_shared>> -> memref<1x1x80x128xf32, #tpu.memory_space<vmem_shared>>
          %dma_start3A_395 = tpu.memref_squeeze %dma_start3A_394 : memref<1x1x80x128xf32, #tpu.memory_space<vmem_shared>> -> memref<80x128xf32, #tpu.memory_space<vmem_shared>>
          %dma_start3A_396 = arith.constant 0 : i32
          %dma_start3A_397 = tpu.memref_slice %arg2[%add3A_390, %dma_start3A_396] : memref<204800x128xf32, #tpu.memory_space<hbm>> -> memref<80x128xf32, #tpu.memory_space<hbm>>
          tpu.enqueue_dma source(%dma_start3A_397 : memref<80x128xf32, #tpu.memory_space<hbm>>) target(%dma_start3A_395 : memref<80x128xf32, #tpu.memory_space<vmem_shared>>) target_semaphore(%arg13 : memref<!tpu.dma_semaphore, #tpu.memory_space<semaphore_mem>>)
        } else {
        }
        %lt3A_370 = arith.constant 1 : i32
        %lt3A_371 = arith.cmpi slt, %scan3A_84, %lt3A_370 : i32
        %convert_element_type3A_372 = arith.extui %lt3A_371 : i1 to i32
        %cond3A_373 = arith.constant 0 : i32
        %cond3A_374 = arith.cmpi ne, %convert_element_type3A_372, %cond3A_373 : i32
        scf.if %cond3A_374 {
          %add3A_375 = arith.constant 2 : i32
          %add3A_376 = arith.addi %add3A_88, %add3A_375 : i32
          %mul3A_377 = arith.constant 80 : i32
          %mul3A_378 = arith.muli %add3A_376, %mul3A_377 : i32
          %add3A_379 = arith.addi %mul3A_2, %mul3A_378 : i32
          %dma_start3A_380 = arith.constant 2 : i32
          %dma_start3A_381 = arith.constant 0 : i32
          %dma_start3A_382 = arith.constant 0 : i32
          %dma_start3A_383 = tpu.memref_slice %arg10[%arg1, %dma_start3A_380, %dma_start3A_381, %dma_start3A_382] : memref<16x4x80x128xf32, #tpu.memory_space<vmem_shared>> -> memref<1x1x80x128xf32, #tpu.memory_space<vmem_shared>>
          %dma_start3A_384 = tpu.memref_squeeze %dma_start3A_383 : memref<1x1x80x128xf32, #tpu.memory_space<vmem_shared>> -> memref<80x128xf32, #tpu.memory_space<vmem_shared>>
          %dma_start3A_385 = arith.constant 0 : i32
          %dma_start3A_386 = tpu.memref_slice %arg2[%add3A_379, %dma_start3A_385] : memref<204800x128xf32, #tpu.memory_space<hbm>> -> memref<80x128xf32, #tpu.memory_space<hbm>>
          tpu.enqueue_dma source(%dma_start3A_386 : memref<80x128xf32, #tpu.memory_space<hbm>>) target(%dma_start3A_384 : memref<80x128xf32, #tpu.memory_space<vmem_shared>>) target_semaphore(%arg13 : memref<!tpu.dma_semaphore, #tpu.memory_space<semaphore_mem>>)
        } else {
        }
      } else {
      }
      %lt3A_91 = arith.constant 78 : i32
      %lt3A_92 = arith.cmpi slt, %add3A_88, %lt3A_91 : i32
      %convert_element_type3A_93 = arith.extui %lt3A_92 : i1 to i32
      %cond3A_94 = arith.constant 0 : i32
      %cond3A_95 = arith.cmpi ne, %convert_element_type3A_93, %cond3A_94 : i32
      scf.if %cond3A_95 {
        %add3A_366 = arith.constant 2 : i32
        %add3A_367 = arith.addi %add3A_88, %add3A_366 : i32
        %dma_start3A_368 = arith.constant 2 : i32
        %dma_start3A_369 = arith.constant 0 : i32
        %dma_start3A_370 = arith.constant 0 : i32
        %dma_start3A_371 = tpu.memref_slice %arg9[%dma_start3A_368, %dma_start3A_369, %dma_start3A_370] : memref<4x80x128xf32, #tpu.memory_space<vmem>> -> memref<1x80x128xf32, #tpu.memory_space<vmem>>
        %dma_start3A_372 = tpu.memref_squeeze %dma_start3A_371 : memref<1x80x128xf32, #tpu.memory_space<vmem>> -> memref<80x128xf32, #tpu.memory_space<vmem>>
        %dma_start3A_373 = arith.constant 0 : i32
        %dma_start3A_374 = tpu.memref_slice %arg7[%add3A_367, %dma_start3A_373] : memref<80x80xi32, #tpu.memory_space<vmem>> -> memref<1x80xi32, #tpu.memory_space<vmem>>
        %dma_start3A_375 = tpu.memref_squeeze %dma_start3A_374 : memref<1x80xi32, #tpu.memory_space<vmem>> -> memref<80xi32, #tpu.memory_space<vmem>>
        %dma_start3A_376 = arith.constant 0 : i32
        %dma_start3A_377 = arith.constant 0 : i32
        %dma_start3A_378 = tpu.memref_slice %arg5[%dma_start3A_376, %dma_start3A_377] : memref<100000x128xf32, #tpu.memory_space<hbm>> -> memref<100000x128xf32, #tpu.memory_space<hbm>>
        tpu.enqueue_indirect_dma source(%dma_start3A_378 : memref<100000x128xf32, #tpu.memory_space<hbm>>) target(%dma_start3A_372 : memref<80x128xf32, #tpu.memory_space<vmem>>) offsets(%dma_start3A_375 : memref<80xi32, #tpu.memory_space<vmem>>) semaphore(%arg17 : memref<!tpu.dma_semaphore, #tpu.memory_space<semaphore_mem>>)
      } else {
      }
      %mul3A_96 = arith.constant 80 : i32
      %mul3A_97 = arith.muli %add3A_88, %mul3A_96 : i32
      %add3A_98 = arith.addi %mul3A_2, %mul3A_97 : i32
      %dma_wait3A_99 = arith.constant 0 : i32
      %dma_wait3A_100 = arith.constant 0 : i32
      %dma_wait3A_101 = arith.constant 0 : i32
      %dma_wait3A_102 = tpu.memref_slice %arg10[%arg1, %dma_wait3A_99, %dma_wait3A_100, %dma_wait3A_101] : memref<16x4x80x128xf32, #tpu.memory_space<vmem_shared>> -> memref<1x1x80x128xf32, #tpu.memory_space<vmem_shared>>
      %dma_wait3A_103 = tpu.memref_squeeze %dma_wait3A_102 : memref<1x1x80x128xf32, #tpu.memory_space<vmem_shared>> -> memref<80x128xf32, #tpu.memory_space<vmem_shared>>
      %dma_wait3A_104 = arith.constant 0 : i32
      %dma_wait3A_105 = tpu.memref_slice %arg2[%add3A_98, %dma_wait3A_104] : memref<204800x128xf32, #tpu.memory_space<hbm>> -> memref<80x128xf32, #tpu.memory_space<hbm>>
      tpu.wait_dma2 semaphore(%arg11 : memref<!tpu.dma_semaphore, #tpu.memory_space<semaphore_mem>>) src(%dma_wait3A_105 : memref<80x128xf32, #tpu.memory_space<hbm>>) dst(%dma_wait3A_103 : memref<80x128xf32, #tpu.memory_space<vmem_shared>>)
      %dma_wait3A_106 = arith.constant 0 : i32
      %dma_wait3A_107 = arith.constant 0 : i32
      %dma_wait3A_108 = arith.constant 0 : i32
      %dma_wait3A_109 = tpu.memref_slice %arg9[%dma_wait3A_106, %dma_wait3A_107, %dma_wait3A_108] : memref<4x80x128xf32, #tpu.memory_space<vmem>> -> memref<1x80x128xf32, #tpu.memory_space<vmem>>
      %dma_wait3A_110 = tpu.memref_squeeze %dma_wait3A_109 : memref<1x80x128xf32, #tpu.memory_space<vmem>> -> memref<80x128xf32, #tpu.memory_space<vmem>>
      %dma_wait3A_111 = arith.constant 0 : i32
      %dma_wait3A_112 = tpu.memref_slice %arg7[%add3A_88, %dma_wait3A_111] : memref<80x80xi32, #tpu.memory_space<vmem>> -> memref<1x80xi32, #tpu.memory_space<vmem>>
      %dma_wait3A_113 = tpu.memref_squeeze %dma_wait3A_112 : memref<1x80xi32, #tpu.memory_space<vmem>> -> memref<80xi32, #tpu.memory_space<vmem>>
      %dma_wait3A_114 = arith.constant 0 : i32
      %dma_wait3A_115 = arith.constant 0 : i32
      %dma_wait3A_116 = tpu.memref_slice %arg5[%dma_wait3A_114, %dma_wait3A_115] : memref<100000x128xf32, #tpu.memory_space<hbm>> -> memref<100000x128xf32, #tpu.memory_space<hbm>>
      tpu.wait_indirect_dma semaphore(%arg15 : memref<!tpu.dma_semaphore, #tpu.memory_space<semaphore_mem>>) src(%dma_wait3A_116 : memref<100000x128xf32, #tpu.memory_space<hbm>>) dst(%dma_wait3A_110 : memref<80x128xf32, #tpu.memory_space<vmem>>)
      %dma_start3A_117 = arith.constant 0 : i32
      %dma_start3A_118 = arith.constant 0 : i32
      %dma_start3A_119 = arith.constant 0 : i32
      %dma_start3A_120 = arith.constant 0 : i32
      %dma_start3A_121 = tpu.memref_slice %arg9[%dma_start3A_117, %dma_start3A_119, %dma_start3A_120] : memref<4x80x128xf32, #tpu.memory_space<vmem>> -> memref<1x80x128xf32, #tpu.memory_space<vmem>>
      %dma_start3A_122 = tpu.memref_squeeze %dma_start3A_121 : memref<1x80x128xf32, #tpu.memory_space<vmem>> -> memref<80x128xf32, #tpu.memory_space<vmem>>
      %dma_start3A_123 = arith.constant 0 : i32
      %dma_start3A_124 = arith.constant 0 : i32
      %dma_start3A_125 = tpu.memref_slice %arg10[%arg1, %dma_start3A_118, %dma_start3A_123, %dma_start3A_124] : memref<16x4x80x128xf32, #tpu.memory_space<vmem_shared>> -> memref<1x1x80x128xf32, #tpu.memory_space<vmem_shared>>
      %dma_start3A_126 = tpu.memref_squeeze %dma_start3A_125 : memref<1x1x80x128xf32, #tpu.memory_space<vmem_shared>> -> memref<80x128xf32, #tpu.memory_space<vmem_shared>>
      %dma_start3A_127 = arith.constant 0 : i32
      %dma_start3A_128 = arith.constant 0 : i32
      %dma_start3A_129 = tpu.memref_slice %dma_start3A_126[%dma_start3A_127, %dma_start3A_128] : memref<80x128xf32, #tpu.memory_space<vmem_shared>> -> memref<80x128xf32, #tpu.memory_space<vmem_shared>>
      tpu.enqueue_indirect_dma source(%dma_start3A_122 : memref<80x128xf32, #tpu.memory_space<vmem>>) target(%dma_start3A_129 : memref<80x128xf32, #tpu.memory_space<vmem_shared>>) offsets(%arg8 : memref<80xi32, #tpu.memory_space<vmem>>) semaphore(%arg19 : memref<!tpu.dma_semaphore, #tpu.memory_space<semaphore_mem>>) {add = true}
      %dma_wait3A_130 = arith.constant 0 : i32
      %dma_wait3A_131 = arith.constant 0 : i32
      %dma_wait3A_132 = arith.constant 0 : i32
      %dma_wait3A_133 = arith.constant 0 : i32
      %dma_wait3A_134 = tpu.memref_slice %arg9[%dma_wait3A_130, %dma_wait3A_132, %dma_wait3A_133] : memref<4x80x128xf32, #tpu.memory_space<vmem>> -> memref<1x80x128xf32, #tpu.memory_space<vmem>>
      %dma_wait3A_135 = tpu.memref_squeeze %dma_wait3A_134 : memref<1x80x128xf32, #tpu.memory_space<vmem>> -> memref<80x128xf32, #tpu.memory_space<vmem>>
      %dma_wait3A_136 = arith.constant 0 : i32
      %dma_wait3A_137 = arith.constant 0 : i32
      %dma_wait3A_138 = tpu.memref_slice %arg10[%arg1, %dma_wait3A_131, %dma_wait3A_136, %dma_wait3A_137] : memref<16x4x80x128xf32, #tpu.memory_space<vmem_shared>> -> memref<1x1x80x128xf32, #tpu.memory_space<vmem_shared>>
      %dma_wait3A_139 = tpu.memref_squeeze %dma_wait3A_138 : memref<1x1x80x128xf32, #tpu.memory_space<vmem_shared>> -> memref<80x128xf32, #tpu.memory_space<vmem_shared>>
      %dma_wait3A_140 = arith.constant 0 : i32
      %dma_wait3A_141 = arith.constant 0 : i32
      %dma_wait3A_142 = tpu.memref_slice %dma_wait3A_139[%dma_wait3A_140, %dma_wait3A_141] : memref<80x128xf32, #tpu.memory_space<vmem_shared>> -> memref<80x128xf32, #tpu.memory_space<vmem_shared>>
      tpu.wait_indirect_dma semaphore(%arg19 : memref<!tpu.dma_semaphore, #tpu.memory_space<semaphore_mem>>) src(%dma_wait3A_135 : memref<80x128xf32, #tpu.memory_space<vmem>>) dst(%dma_wait3A_142 : memref<80x128xf32, #tpu.memory_space<vmem_shared>>)
      %mul3A_143 = arith.constant 80 : i32
      %mul3A_144 = arith.muli %add3A_88, %mul3A_143 : i32
      %add3A_145 = arith.addi %mul3A_2, %mul3A_144 : i32
      %dma_start3A_146 = arith.constant 0 : i32
      %dma_start3A_147 = arith.constant 0 : i32
      %dma_start3A_148 = tpu.memref_slice %arg6[%add3A_145, %dma_start3A_147] : memref<204800x128xf32, #tpu.memory_space<hbm>> -> memref<80x128xf32, #tpu.memory_space<hbm>>
      %dma_start3A_149 = arith.constant 0 : i32
      %dma_start3A_150 = arith.constant 0 : i32
      %dma_start3A_151 = tpu.memref_slice %arg10[%arg1, %dma_start3A_146, %dma_start3A_149, %dma_start3A_150] : memref<16x4x80x128xf32, #tpu.memory_space<vmem_shared>> -> memref<1x1x80x128xf32, #tpu.memory_space<vmem_shared>>
      %dma_start3A_152 = tpu.memref_squeeze %dma_start3A_151 : memref<1x1x80x128xf32, #tpu.memory_space<vmem_shared>> -> memref<80x128xf32, #tpu.memory_space<vmem_shared>>
      tpu.enqueue_dma source(%dma_start3A_152 : memref<80x128xf32, #tpu.memory_space<vmem_shared>>) target(%dma_start3A_148 : memref<80x128xf32, #tpu.memory_space<hbm>>) target_semaphore(%arg23 : memref<!tpu.dma_semaphore, #tpu.memory_space<semaphore_mem>>)
      %mul3A_153 = arith.constant 4 : i32
      %mul3A_154 = arith.muli %scan3A_84, %mul3A_153 : i32
      %add3A_155 = arith.constant 1 : i32
      %add3A_156 = arith.addi %mul3A_154, %add3A_155 : i32
      %lt3A_157 = arith.constant 78 : i32
      %lt3A_158 = arith.cmpi slt, %add3A_156, %lt3A_157 : i32
      %convert_element_type3A_159 = arith.extui %lt3A_158 : i1 to i32
      %cond3A_160 = arith.constant 0 : i32
      %cond3A_161 = arith.cmpi ne, %convert_element_type3A_159, %cond3A_160 : i32
      scf.if %cond3A_161 {
        %ge3A = arith.constant 1 : i32
        %ge3A_366 = arith.cmpi sge, %scan3A_84, %ge3A : i32
        %convert_element_type3A_367 = arith.extui %ge3A_366 : i1 to i32
        %cond3A_368 = arith.constant 0 : i32
        %cond3A_369 = arith.cmpi ne, %convert_element_type3A_367, %cond3A_368 : i32
        scf.if %cond3A_369 {
          %sub3A = arith.constant 2 : i32
          %sub3A_375 = arith.subi %add3A_156, %sub3A : i32
          %mul3A_376 = arith.constant 80 : i32
          %mul3A_377 = arith.muli %sub3A_375, %mul3A_376 : i32
          %add3A_378 = arith.addi %mul3A_2, %mul3A_377 : i32
          %dma_wait3A_379 = arith.constant 3 : i32
          %dma_wait3A_380 = arith.constant 0 : i32
          %dma_wait3A_381 = tpu.memref_slice %arg6[%add3A_378, %dma_wait3A_380] : memref<204800x128xf32, #tpu.memory_space<hbm>> -> memref<80x128xf32, #tpu.memory_space<hbm>>
          %dma_wait3A_382 = arith.constant 0 : i32
          %dma_wait3A_383 = arith.constant 0 : i32
          %dma_wait3A_384 = tpu.memref_slice %arg10[%arg1, %dma_wait3A_379, %dma_wait3A_382, %dma_wait3A_383] : memref<16x4x80x128xf32, #tpu.memory_space<vmem_shared>> -> memref<1x1x80x128xf32, #tpu.memory_space<vmem_shared>>
          %dma_wait3A_385 = tpu.memref_squeeze %dma_wait3A_384 : memref<1x1x80x128xf32, #tpu.memory_space<vmem_shared>> -> memref<80x128xf32, #tpu.memory_space<vmem_shared>>
          tpu.wait_dma2 semaphore(%arg26 : memref<!tpu.dma_semaphore, #tpu.memory_space<semaphore_mem>>) src(%dma_wait3A_385 : memref<80x128xf32, #tpu.memory_space<vmem_shared>>) dst(%dma_wait3A_381 : memref<80x128xf32, #tpu.memory_space<hbm>>)
          %add3A_386 = arith.constant 2 : i32
          %add3A_387 = arith.addi %add3A_156, %add3A_386 : i32
          %mul3A_388 = arith.constant 80 : i32
          %mul3A_389 = arith.muli %add3A_387, %mul3A_388 : i32
          %add3A_390 = arith.addi %mul3A_2, %mul3A_389 : i32
          %dma_start3A_391 = arith.constant 3 : i32
          %dma_start3A_392 = arith.constant 0 : i32
          %dma_start3A_393 = arith.constant 0 : i32
          %dma_start3A_394 = tpu.memref_slice %arg10[%arg1, %dma_start3A_391, %dma_start3A_392, %dma_start3A_393] : memref<16x4x80x128xf32, #tpu.memory_space<vmem_shared>> -> memref<1x1x80x128xf32, #tpu.memory_space<vmem_shared>>
          %dma_start3A_395 = tpu.memref_squeeze %dma_start3A_394 : memref<1x1x80x128xf32, #tpu.memory_space<vmem_shared>> -> memref<80x128xf32, #tpu.memory_space<vmem_shared>>
          %dma_start3A_396 = arith.constant 0 : i32
          %dma_start3A_397 = tpu.memref_slice %arg2[%add3A_390, %dma_start3A_396] : memref<204800x128xf32, #tpu.memory_space<hbm>> -> memref<80x128xf32, #tpu.memory_space<hbm>>
          tpu.enqueue_dma source(%dma_start3A_397 : memref<80x128xf32, #tpu.memory_space<hbm>>) target(%dma_start3A_395 : memref<80x128xf32, #tpu.memory_space<vmem_shared>>) target_semaphore(%arg14 : memref<!tpu.dma_semaphore, #tpu.memory_space<semaphore_mem>>)
        } else {
        }
        %lt3A_370 = arith.constant 1 : i32
        %lt3A_371 = arith.cmpi slt, %scan3A_84, %lt3A_370 : i32
        %convert_element_type3A_372 = arith.extui %lt3A_371 : i1 to i32
        %cond3A_373 = arith.constant 0 : i32
        %cond3A_374 = arith.cmpi ne, %convert_element_type3A_372, %cond3A_373 : i32
        scf.if %cond3A_374 {
          %add3A_375 = arith.constant 2 : i32
          %add3A_376 = arith.addi %add3A_156, %add3A_375 : i32
          %mul3A_377 = arith.constant 80 : i32
          %mul3A_378 = arith.muli %add3A_376, %mul3A_377 : i32
          %add3A_379 = arith.addi %mul3A_2, %mul3A_378 : i32
          %dma_start3A_380 = arith.constant 3 : i32
          %dma_start3A_381 = arith.constant 0 : i32
          %dma_start3A_382 = arith.constant 0 : i32
          %dma_start3A_383 = tpu.memref_slice %arg10[%arg1, %dma_start3A_380, %dma_start3A_381, %dma_start3A_382] : memref<16x4x80x128xf32, #tpu.memory_space<vmem_shared>> -> memref<1x1x80x128xf32, #tpu.memory_space<vmem_shared>>
          %dma_start3A_384 = tpu.memref_squeeze %dma_start3A_383 : memref<1x1x80x128xf32, #tpu.memory_space<vmem_shared>> -> memref<80x128xf32, #tpu.memory_space<vmem_shared>>
          %dma_start3A_385 = arith.constant 0 : i32
          %dma_start3A_386 = tpu.memref_slice %arg2[%add3A_379, %dma_start3A_385] : memref<204800x128xf32, #tpu.memory_space<hbm>> -> memref<80x128xf32, #tpu.memory_space<hbm>>
          tpu.enqueue_dma source(%dma_start3A_386 : memref<80x128xf32, #tpu.memory_space<hbm>>) target(%dma_start3A_384 : memref<80x128xf32, #tpu.memory_space<vmem_shared>>) target_semaphore(%arg14 : memref<!tpu.dma_semaphore, #tpu.memory_space<semaphore_mem>>)
        } else {
        }
      } else {
      }
      %lt3A_162 = arith.constant 78 : i32
      %lt3A_163 = arith.cmpi slt, %add3A_156, %lt3A_162 : i32
      %convert_element_type3A_164 = arith.extui %lt3A_163 : i1 to i32
      %cond3A_165 = arith.constant 0 : i32
      %cond3A_166 = arith.cmpi ne, %convert_element_type3A_164, %cond3A_165 : i32
      scf.if %cond3A_166 {
        %add3A_366 = arith.constant 2 : i32
        %add3A_367 = arith.addi %add3A_156, %add3A_366 : i32
        %dma_start3A_368 = arith.constant 3 : i32
        %dma_start3A_369 = arith.constant 0 : i32
        %dma_start3A_370 = arith.constant 0 : i32
        %dma_start3A_371 = tpu.memref_slice %arg9[%dma_start3A_368, %dma_start3A_369, %dma_start3A_370] : memref<4x80x128xf32, #tpu.memory_space<vmem>> -> memref<1x80x128xf32, #tpu.memory_space<vmem>>
        %dma_start3A_372 = tpu.memref_squeeze %dma_start3A_371 : memref<1x80x128xf32, #tpu.memory_space<vmem>> -> memref<80x128xf32, #tpu.memory_space<vmem>>
        %dma_start3A_373 = arith.constant 0 : i32
        %dma_start3A_374 = tpu.memref_slice %arg7[%add3A_367, %dma_start3A_373] : memref<80x80xi32, #tpu.memory_space<vmem>> -> memref<1x80xi32, #tpu.memory_space<vmem>>
        %dma_start3A_375 = tpu.memref_squeeze %dma_start3A_374 : memref<1x80xi32, #tpu.memory_space<vmem>> -> memref<80xi32, #tpu.memory_space<vmem>>
        %dma_start3A_376 = arith.constant 0 : i32
        %dma_start3A_377 = arith.constant 0 : i32
        %dma_start3A_378 = tpu.memref_slice %arg5[%dma_start3A_376, %dma_start3A_377] : memref<100000x128xf32, #tpu.memory_space<hbm>> -> memref<100000x128xf32, #tpu.memory_space<hbm>>
        tpu.enqueue_indirect_dma source(%dma_start3A_378 : memref<100000x128xf32, #tpu.memory_space<hbm>>) target(%dma_start3A_372 : memref<80x128xf32, #tpu.memory_space<vmem>>) offsets(%dma_start3A_375 : memref<80xi32, #tpu.memory_space<vmem>>) semaphore(%arg18 : memref<!tpu.dma_semaphore, #tpu.memory_space<semaphore_mem>>)
      } else {
      }
      %mul3A_167 = arith.constant 80 : i32
      %mul3A_168 = arith.muli %add3A_156, %mul3A_167 : i32
      %add3A_169 = arith.addi %mul3A_2, %mul3A_168 : i32
      %dma_wait3A_170 = arith.constant 1 : i32
      %dma_wait3A_171 = arith.constant 0 : i32
      %dma_wait3A_172 = arith.constant 0 : i32
      %dma_wait3A_173 = tpu.memref_slice %arg10[%arg1, %dma_wait3A_170, %dma_wait3A_171, %dma_wait3A_172] : memref<16x4x80x128xf32, #tpu.memory_space<vmem_shared>> -> memref<1x1x80x128xf32, #tpu.memory_space<vmem_shared>>
      %dma_wait3A_174 = tpu.memref_squeeze %dma_wait3A_173 : memref<1x1x80x128xf32, #tpu.memory_space<vmem_shared>> -> memref<80x128xf32, #tpu.memory_space<vmem_shared>>
      %dma_wait3A_175 = arith.constant 0 : i32
      %dma_wait3A_176 = tpu.memref_slice %arg2[%add3A_169, %dma_wait3A_175] : memref<204800x128xf32, #tpu.memory_space<hbm>> -> memref<80x128xf32, #tpu.memory_space<hbm>>
      tpu.wait_dma2 semaphore(%arg12 : memref<!tpu.dma_semaphore, #tpu.memory_space<semaphore_mem>>) src(%dma_wait3A_176 : memref<80x128xf32, #tpu.memory_space<hbm>>) dst(%dma_wait3A_174 : memref<80x128xf32, #tpu.memory_space<vmem_shared>>)
      %dma_wait3A_177 = arith.constant 1 : i32
      %dma_wait3A_178 = arith.constant 0 : i32
      %dma_wait3A_179 = arith.constant 0 : i32
      %dma_wait3A_180 = tpu.memref_slice %arg9[%dma_wait3A_177, %dma_wait3A_178, %dma_wait3A_179] : memref<4x80x128xf32, #tpu.memory_space<vmem>> -> memref<1x80x128xf32, #tpu.memory_space<vmem>>
      %dma_wait3A_181 = tpu.memref_squeeze %dma_wait3A_180 : memref<1x80x128xf32, #tpu.memory_space<vmem>> -> memref<80x128xf32, #tpu.memory_space<vmem>>
      %dma_wait3A_182 = arith.constant 0 : i32
      %dma_wait3A_183 = tpu.memref_slice %arg7[%add3A_156, %dma_wait3A_182] : memref<80x80xi32, #tpu.memory_space<vmem>> -> memref<1x80xi32, #tpu.memory_space<vmem>>
      %dma_wait3A_184 = tpu.memref_squeeze %dma_wait3A_183 : memref<1x80xi32, #tpu.memory_space<vmem>> -> memref<80xi32, #tpu.memory_space<vmem>>
      %dma_wait3A_185 = arith.constant 0 : i32
      %dma_wait3A_186 = arith.constant 0 : i32
      %dma_wait3A_187 = tpu.memref_slice %arg5[%dma_wait3A_185, %dma_wait3A_186] : memref<100000x128xf32, #tpu.memory_space<hbm>> -> memref<100000x128xf32, #tpu.memory_space<hbm>>
      tpu.wait_indirect_dma semaphore(%arg16 : memref<!tpu.dma_semaphore, #tpu.memory_space<semaphore_mem>>) src(%dma_wait3A_187 : memref<100000x128xf32, #tpu.memory_space<hbm>>) dst(%dma_wait3A_181 : memref<80x128xf32, #tpu.memory_space<vmem>>)
      %dma_start3A_188 = arith.constant 1 : i32
      %dma_start3A_189 = arith.constant 1 : i32
      %dma_start3A_190 = arith.constant 0 : i32
      %dma_start3A_191 = arith.constant 0 : i32
      %dma_start3A_192 = tpu.memref_slice %arg9[%dma_start3A_188, %dma_start3A_190, %dma_start3A_191] : memref<4x80x128xf32, #tpu.memory_space<vmem>> -> memref<1x80x128xf32, #tpu.memory_space<vmem>>
      %dma_start3A_193 = tpu.memref_squeeze %dma_start3A_192 : memref<1x80x128xf32, #tpu.memory_space<vmem>> -> memref<80x128xf32, #tpu.memory_space<vmem>>
      %dma_start3A_194 = arith.constant 0 : i32
      %dma_start3A_195 = arith.constant 0 : i32
      %dma_start3A_196 = tpu.memref_slice %arg10[%arg1, %dma_start3A_189, %dma_start3A_194, %dma_start3A_195] : memref<16x4x80x128xf32, #tpu.memory_space<vmem_shared>> -> memref<1x1x80x128xf32, #tpu.memory_space<vmem_shared>>
      %dma_start3A_197 = tpu.memref_squeeze %dma_start3A_196 : memref<1x1x80x128xf32, #tpu.memory_space<vmem_shared>> -> memref<80x128xf32, #tpu.memory_space<vmem_shared>>
      %dma_start3A_198 = arith.constant 0 : i32
      %dma_start3A_199 = arith.constant 0 : i32
      %dma_start3A_200 = tpu.memref_slice %dma_start3A_197[%dma_start3A_198, %dma_start3A_199] : memref<80x128xf32, #tpu.memory_space<vmem_shared>> -> memref<80x128xf32, #tpu.memory_space<vmem_shared>>
      tpu.enqueue_indirect_dma source(%dma_start3A_193 : memref<80x128xf32, #tpu.memory_space<vmem>>) target(%dma_start3A_200 : memref<80x128xf32, #tpu.memory_space<vmem_shared>>) offsets(%arg8 : memref<80xi32, #tpu.memory_space<vmem>>) semaphore(%arg20 : memref<!tpu.dma_semaphore, #tpu.memory_space<semaphore_mem>>) {add = true}
      %dma_wait3A_201 = arith.constant 1 : i32
      %dma_wait3A_202 = arith.constant 1 : i32
      %dma_wait3A_203 = arith.constant 0 : i32
      %dma_wait3A_204 = arith.constant 0 : i32
      %dma_wait3A_205 = tpu.memref_slice %arg9[%dma_wait3A_201, %dma_wait3A_203, %dma_wait3A_204] : memref<4x80x128xf32, #tpu.memory_space<vmem>> -> memref<1x80x128xf32, #tpu.memory_space<vmem>>
      %dma_wait3A_206 = tpu.memref_squeeze %dma_wait3A_205 : memref<1x80x128xf32, #tpu.memory_space<vmem>> -> memref<80x128xf32, #tpu.memory_space<vmem>>
      %dma_wait3A_207 = arith.constant 0 : i32
      %dma_wait3A_208 = arith.constant 0 : i32
      %dma_wait3A_209 = tpu.memref_slice %arg10[%arg1, %dma_wait3A_202, %dma_wait3A_207, %dma_wait3A_208] : memref<16x4x80x128xf32, #tpu.memory_space<vmem_shared>> -> memref<1x1x80x128xf32, #tpu.memory_space<vmem_shared>>
      %dma_wait3A_210 = tpu.memref_squeeze %dma_wait3A_209 : memref<1x1x80x128xf32, #tpu.memory_space<vmem_shared>> -> memref<80x128xf32, #tpu.memory_space<vmem_shared>>
      %dma_wait3A_211 = arith.constant 0 : i32
      %dma_wait3A_212 = arith.constant 0 : i32
      %dma_wait3A_213 = tpu.memref_slice %dma_wait3A_210[%dma_wait3A_211, %dma_wait3A_212] : memref<80x128xf32, #tpu.memory_space<vmem_shared>> -> memref<80x128xf32, #tpu.memory_space<vmem_shared>>
      tpu.wait_indirect_dma semaphore(%arg20 : memref<!tpu.dma_semaphore, #tpu.memory_space<semaphore_mem>>) src(%dma_wait3A_206 : memref<80x128xf32, #tpu.memory_space<vmem>>) dst(%dma_wait3A_213 : memref<80x128xf32, #tpu.memory_space<vmem_shared>>)
      %mul3A_214 = arith.constant 80 : i32
      %mul3A_215 = arith.muli %add3A_156, %mul3A_214 : i32
      %add3A_216 = arith.addi %mul3A_2, %mul3A_215 : i32
      %dma_start3A_217 = arith.constant 1 : i32
      %dma_start3A_218 = arith.constant 0 : i32
      %dma_start3A_219 = tpu.memref_slice %arg6[%add3A_216, %dma_start3A_218] : memref<204800x128xf32, #tpu.memory_space<hbm>> -> memref<80x128xf32, #tpu.memory_space<hbm>>
      %dma_start3A_220 = arith.constant 0 : i32
      %dma_start3A_221 = arith.constant 0 : i32
      %dma_start3A_222 = tpu.memref_slice %arg10[%arg1, %dma_start3A_217, %dma_start3A_220, %dma_start3A_221] : memref<16x4x80x128xf32, #tpu.memory_space<vmem_shared>> -> memref<1x1x80x128xf32, #tpu.memory_space<vmem_shared>>
      %dma_start3A_223 = tpu.memref_squeeze %dma_start3A_222 : memref<1x1x80x128xf32, #tpu.memory_space<vmem_shared>> -> memref<80x128xf32, #tpu.memory_space<vmem_shared>>
      tpu.enqueue_dma source(%dma_start3A_223 : memref<80x128xf32, #tpu.memory_space<vmem_shared>>) target(%dma_start3A_219 : memref<80x128xf32, #tpu.memory_space<hbm>>) target_semaphore(%arg24 : memref<!tpu.dma_semaphore, #tpu.memory_space<semaphore_mem>>)
      %mul3A_224 = arith.constant 4 : i32
      %mul3A_225 = arith.muli %scan3A_84, %mul3A_224 : i32
      %add3A_226 = arith.constant 2 : i32
      %add3A_227 = arith.addi %mul3A_225, %add3A_226 : i32
      %lt3A_228 = arith.constant 78 : i32
      %lt3A_229 = arith.cmpi slt, %add3A_227, %lt3A_228 : i32
      %convert_element_type3A_230 = arith.extui %lt3A_229 : i1 to i32
      %cond3A_231 = arith.constant 0 : i32
      %cond3A_232 = arith.cmpi ne, %convert_element_type3A_230, %cond3A_231 : i32
      scf.if %cond3A_232 {
        %sub3A = arith.constant 2 : i32
        %sub3A_366 = arith.subi %add3A_227, %sub3A : i32
        %mul3A_367 = arith.constant 80 : i32
        %mul3A_368 = arith.muli %sub3A_366, %mul3A_367 : i32
        %add3A_369 = arith.addi %mul3A_2, %mul3A_368 : i32
        %dma_wait3A_370 = arith.constant 0 : i32
        %dma_wait3A_371 = arith.constant 0 : i32
        %dma_wait3A_372 = tpu.memref_slice %arg6[%add3A_369, %dma_wait3A_371] : memref<204800x128xf32, #tpu.memory_space<hbm>> -> memref<80x128xf32, #tpu.memory_space<hbm>>
        %dma_wait3A_373 = arith.constant 0 : i32
        %dma_wait3A_374 = arith.constant 0 : i32
        %dma_wait3A_375 = tpu.memref_slice %arg10[%arg1, %dma_wait3A_370, %dma_wait3A_373, %dma_wait3A_374] : memref<16x4x80x128xf32, #tpu.memory_space<vmem_shared>> -> memref<1x1x80x128xf32, #tpu.memory_space<vmem_shared>>
        %dma_wait3A_376 = tpu.memref_squeeze %dma_wait3A_375 : memref<1x1x80x128xf32, #tpu.memory_space<vmem_shared>> -> memref<80x128xf32, #tpu.memory_space<vmem_shared>>
        tpu.wait_dma2 semaphore(%arg23 : memref<!tpu.dma_semaphore, #tpu.memory_space<semaphore_mem>>) src(%dma_wait3A_376 : memref<80x128xf32, #tpu.memory_space<vmem_shared>>) dst(%dma_wait3A_372 : memref<80x128xf32, #tpu.memory_space<hbm>>)
        %add3A_377 = arith.constant 2 : i32
        %add3A_378 = arith.addi %add3A_227, %add3A_377 : i32
        %mul3A_379 = arith.constant 80 : i32
        %mul3A_380 = arith.muli %add3A_378, %mul3A_379 : i32
        %add3A_381 = arith.addi %mul3A_2, %mul3A_380 : i32
        %dma_start3A_382 = arith.constant 0 : i32
        %dma_start3A_383 = arith.constant 0 : i32
        %dma_start3A_384 = arith.constant 0 : i32
        %dma_start3A_385 = tpu.memref_slice %arg10[%arg1, %dma_start3A_382, %dma_start3A_383, %dma_start3A_384] : memref<16x4x80x128xf32, #tpu.memory_space<vmem_shared>> -> memref<1x1x80x128xf32, #tpu.memory_space<vmem_shared>>
        %dma_start3A_386 = tpu.memref_squeeze %dma_start3A_385 : memref<1x1x80x128xf32, #tpu.memory_space<vmem_shared>> -> memref<80x128xf32, #tpu.memory_space<vmem_shared>>
        %dma_start3A_387 = arith.constant 0 : i32
        %dma_start3A_388 = tpu.memref_slice %arg2[%add3A_381, %dma_start3A_387] : memref<204800x128xf32, #tpu.memory_space<hbm>> -> memref<80x128xf32, #tpu.memory_space<hbm>>
        tpu.enqueue_dma source(%dma_start3A_388 : memref<80x128xf32, #tpu.memory_space<hbm>>) target(%dma_start3A_386 : memref<80x128xf32, #tpu.memory_space<vmem_shared>>) target_semaphore(%arg11 : memref<!tpu.dma_semaphore, #tpu.memory_space<semaphore_mem>>)
      } else {
      }
      %lt3A_233 = arith.constant 78 : i32
      %lt3A_234 = arith.cmpi slt, %add3A_227, %lt3A_233 : i32
      %convert_element_type3A_235 = arith.extui %lt3A_234 : i1 to i32
      %cond3A_236 = arith.constant 0 : i32
      %cond3A_237 = arith.cmpi ne, %convert_element_type3A_235, %cond3A_236 : i32
      scf.if %cond3A_237 {
        %add3A_366 = arith.constant 2 : i32
        %add3A_367 = arith.addi %add3A_227, %add3A_366 : i32
        %dma_start3A_368 = arith.constant 0 : i32
        %dma_start3A_369 = arith.constant 0 : i32
        %dma_start3A_370 = arith.constant 0 : i32
        %dma_start3A_371 = tpu.memref_slice %arg9[%dma_start3A_368, %dma_start3A_369, %dma_start3A_370] : memref<4x80x128xf32, #tpu.memory_space<vmem>> -> memref<1x80x128xf32, #tpu.memory_space<vmem>>
        %dma_start3A_372 = tpu.memref_squeeze %dma_start3A_371 : memref<1x80x128xf32, #tpu.memory_space<vmem>> -> memref<80x128xf32, #tpu.memory_space<vmem>>
        %dma_start3A_373 = arith.constant 0 : i32
        %dma_start3A_374 = tpu.memref_slice %arg7[%add3A_367, %dma_start3A_373] : memref<80x80xi32, #tpu.memory_space<vmem>> -> memref<1x80xi32, #tpu.memory_space<vmem>>
        %dma_start3A_375 = tpu.memref_squeeze %dma_start3A_374 : memref<1x80xi32, #tpu.memory_space<vmem>> -> memref<80xi32, #tpu.memory_space<vmem>>
        %dma_start3A_376 = arith.constant 0 : i32
        %dma_start3A_377 = arith.constant 0 : i32
        %dma_start3A_378 = tpu.memref_slice %arg5[%dma_start3A_376, %dma_start3A_377] : memref<100000x128xf32, #tpu.memory_space<hbm>> -> memref<100000x128xf32, #tpu.memory_space<hbm>>
        tpu.enqueue_indirect_dma source(%dma_start3A_378 : memref<100000x128xf32, #tpu.memory_space<hbm>>) target(%dma_start3A_372 : memref<80x128xf32, #tpu.memory_space<vmem>>) offsets(%dma_start3A_375 : memref<80xi32, #tpu.memory_space<vmem>>) semaphore(%arg15 : memref<!tpu.dma_semaphore, #tpu.memory_space<semaphore_mem>>)
      } else {
      }
      %mul3A_238 = arith.constant 80 : i32
      %mul3A_239 = arith.muli %add3A_227, %mul3A_238 : i32
      %add3A_240 = arith.addi %mul3A_2, %mul3A_239 : i32
      %dma_wait3A_241 = arith.constant 2 : i32
      %dma_wait3A_242 = arith.constant 0 : i32
      %dma_wait3A_243 = arith.constant 0 : i32
      %dma_wait3A_244 = tpu.memref_slice %arg10[%arg1, %dma_wait3A_241, %dma_wait3A_242, %dma_wait3A_243] : memref<16x4x80x128xf32, #tpu.memory_space<vmem_shared>> -> memref<1x1x80x128xf32, #tpu.memory_space<vmem_shared>>
      %dma_wait3A_245 = tpu.memref_squeeze %dma_wait3A_244 : memref<1x1x80x128xf32, #tpu.memory_space<vmem_shared>> -> memref<80x128xf32, #tpu.memory_space<vmem_shared>>
      %dma_wait3A_246 = arith.constant 0 : i32
      %dma_wait3A_247 = tpu.memref_slice %arg2[%add3A_240, %dma_wait3A_246] : memref<204800x128xf32, #tpu.memory_space<hbm>> -> memref<80x128xf32, #tpu.memory_space<hbm>>
      tpu.wait_dma2 semaphore(%arg13 : memref<!tpu.dma_semaphore, #tpu.memory_space<semaphore_mem>>) src(%dma_wait3A_247 : memref<80x128xf32, #tpu.memory_space<hbm>>) dst(%dma_wait3A_245 : memref<80x128xf32, #tpu.memory_space<vmem_shared>>)
      %dma_wait3A_248 = arith.constant 2 : i32
      %dma_wait3A_249 = arith.constant 0 : i32
      %dma_wait3A_250 = arith.constant 0 : i32
      %dma_wait3A_251 = tpu.memref_slice %arg9[%dma_wait3A_248, %dma_wait3A_249, %dma_wait3A_250] : memref<4x80x128xf32, #tpu.memory_space<vmem>> -> memref<1x80x128xf32, #tpu.memory_space<vmem>>
      %dma_wait3A_252 = tpu.memref_squeeze %dma_wait3A_251 : memref<1x80x128xf32, #tpu.memory_space<vmem>> -> memref<80x128xf32, #tpu.memory_space<vmem>>
      %dma_wait3A_253 = arith.constant 0 : i32
      %dma_wait3A_254 = tpu.memref_slice %arg7[%add3A_227, %dma_wait3A_253] : memref<80x80xi32, #tpu.memory_space<vmem>> -> memref<1x80xi32, #tpu.memory_space<vmem>>
      %dma_wait3A_255 = tpu.memref_squeeze %dma_wait3A_254 : memref<1x80xi32, #tpu.memory_space<vmem>> -> memref<80xi32, #tpu.memory_space<vmem>>
      %dma_wait3A_256 = arith.constant 0 : i32
      %dma_wait3A_257 = arith.constant 0 : i32
      %dma_wait3A_258 = tpu.memref_slice %arg5[%dma_wait3A_256, %dma_wait3A_257] : memref<100000x128xf32, #tpu.memory_space<hbm>> -> memref<100000x128xf32, #tpu.memory_space<hbm>>
      tpu.wait_indirect_dma semaphore(%arg17 : memref<!tpu.dma_semaphore, #tpu.memory_space<semaphore_mem>>) src(%dma_wait3A_258 : memref<100000x128xf32, #tpu.memory_space<hbm>>) dst(%dma_wait3A_252 : memref<80x128xf32, #tpu.memory_space<vmem>>)
      %dma_start3A_259 = arith.constant 2 : i32
      %dma_start3A_260 = arith.constant 2 : i32
      %dma_start3A_261 = arith.constant 0 : i32
      %dma_start3A_262 = arith.constant 0 : i32
      %dma_start3A_263 = tpu.memref_slice %arg9[%dma_start3A_259, %dma_start3A_261, %dma_start3A_262] : memref<4x80x128xf32, #tpu.memory_space<vmem>> -> memref<1x80x128xf32, #tpu.memory_space<vmem>>
      %dma_start3A_264 = tpu.memref_squeeze %dma_start3A_263 : memref<1x80x128xf32, #tpu.memory_space<vmem>> -> memref<80x128xf32, #tpu.memory_space<vmem>>
      %dma_start3A_265 = arith.constant 0 : i32
      %dma_start3A_266 = arith.constant 0 : i32
      %dma_start3A_267 = tpu.memref_slice %arg10[%arg1, %dma_start3A_260, %dma_start3A_265, %dma_start3A_266] : memref<16x4x80x128xf32, #tpu.memory_space<vmem_shared>> -> memref<1x1x80x128xf32, #tpu.memory_space<vmem_shared>>
      %dma_start3A_268 = tpu.memref_squeeze %dma_start3A_267 : memref<1x1x80x128xf32, #tpu.memory_space<vmem_shared>> -> memref<80x128xf32, #tpu.memory_space<vmem_shared>>
      %dma_start3A_269 = arith.constant 0 : i32
      %dma_start3A_270 = arith.constant 0 : i32
      %dma_start3A_271 = tpu.memref_slice %dma_start3A_268[%dma_start3A_269, %dma_start3A_270] : memref<80x128xf32, #tpu.memory_space<vmem_shared>> -> memref<80x128xf32, #tpu.memory_space<vmem_shared>>
      tpu.enqueue_indirect_dma source(%dma_start3A_264 : memref<80x128xf32, #tpu.memory_space<vmem>>) target(%dma_start3A_271 : memref<80x128xf32, #tpu.memory_space<vmem_shared>>) offsets(%arg8 : memref<80xi32, #tpu.memory_space<vmem>>) semaphore(%arg21 : memref<!tpu.dma_semaphore, #tpu.memory_space<semaphore_mem>>) {add = true}
      %dma_wait3A_272 = arith.constant 2 : i32
      %dma_wait3A_273 = arith.constant 2 : i32
      %dma_wait3A_274 = arith.constant 0 : i32
      %dma_wait3A_275 = arith.constant 0 : i32
      %dma_wait3A_276 = tpu.memref_slice %arg9[%dma_wait3A_272, %dma_wait3A_274, %dma_wait3A_275] : memref<4x80x128xf32, #tpu.memory_space<vmem>> -> memref<1x80x128xf32, #tpu.memory_space<vmem>>
      %dma_wait3A_277 = tpu.memref_squeeze %dma_wait3A_276 : memref<1x80x128xf32, #tpu.memory_space<vmem>> -> memref<80x128xf32, #tpu.memory_space<vmem>>
      %dma_wait3A_278 = arith.constant 0 : i32
      %dma_wait3A_279 = arith.constant 0 : i32
      %dma_wait3A_280 = tpu.memref_slice %arg10[%arg1, %dma_wait3A_273, %dma_wait3A_278, %dma_wait3A_279] : memref<16x4x80x128xf32, #tpu.memory_space<vmem_shared>> -> memref<1x1x80x128xf32, #tpu.memory_space<vmem_shared>>
      %dma_wait3A_281 = tpu.memref_squeeze %dma_wait3A_280 : memref<1x1x80x128xf32, #tpu.memory_space<vmem_shared>> -> memref<80x128xf32, #tpu.memory_space<vmem_shared>>
      %dma_wait3A_282 = arith.constant 0 : i32
      %dma_wait3A_283 = arith.constant 0 : i32
      %dma_wait3A_284 = tpu.memref_slice %dma_wait3A_281[%dma_wait3A_282, %dma_wait3A_283] : memref<80x128xf32, #tpu.memory_space<vmem_shared>> -> memref<80x128xf32, #tpu.memory_space<vmem_shared>>
      tpu.wait_indirect_dma semaphore(%arg21 : memref<!tpu.dma_semaphore, #tpu.memory_space<semaphore_mem>>) src(%dma_wait3A_277 : memref<80x128xf32, #tpu.memory_space<vmem>>) dst(%dma_wait3A_284 : memref<80x128xf32, #tpu.memory_space<vmem_shared>>)
      %mul3A_285 = arith.constant 80 : i32
      %mul3A_286 = arith.muli %add3A_227, %mul3A_285 : i32
      %add3A_287 = arith.addi %mul3A_2, %mul3A_286 : i32
      %dma_start3A_288 = arith.constant 2 : i32
      %dma_start3A_289 = arith.constant 0 : i32
      %dma_start3A_290 = tpu.memref_slice %arg6[%add3A_287, %dma_start3A_289] : memref<204800x128xf32, #tpu.memory_space<hbm>> -> memref<80x128xf32, #tpu.memory_space<hbm>>
      %dma_start3A_291 = arith.constant 0 : i32
      %dma_start3A_292 = arith.constant 0 : i32
      %dma_start3A_293 = tpu.memref_slice %arg10[%arg1, %dma_start3A_288, %dma_start3A_291, %dma_start3A_292] : memref<16x4x80x128xf32, #tpu.memory_space<vmem_shared>> -> memref<1x1x80x128xf32, #tpu.memory_space<vmem_shared>>
      %dma_start3A_294 = tpu.memref_squeeze %dma_start3A_293 : memref<1x1x80x128xf32, #tpu.memory_space<vmem_shared>> -> memref<80x128xf32, #tpu.memory_space<vmem_shared>>
      tpu.enqueue_dma source(%dma_start3A_294 : memref<80x128xf32, #tpu.memory_space<vmem_shared>>) target(%dma_start3A_290 : memref<80x128xf32, #tpu.memory_space<hbm>>) target_semaphore(%arg25 : memref<!tpu.dma_semaphore, #tpu.memory_space<semaphore_mem>>)
      %mul3A_295 = arith.constant 4 : i32
      %mul3A_296 = arith.muli %scan3A_84, %mul3A_295 : i32
      %add3A_297 = arith.constant 3 : i32
      %add3A_298 = arith.addi %mul3A_296, %add3A_297 : i32
      %lt3A_299 = arith.constant 78 : i32
      %lt3A_300 = arith.cmpi slt, %add3A_298, %lt3A_299 : i32
      %convert_element_type3A_301 = arith.extui %lt3A_300 : i1 to i32
      %cond3A_302 = arith.constant 0 : i32
      %cond3A_303 = arith.cmpi ne, %convert_element_type3A_301, %cond3A_302 : i32
      scf.if %cond3A_303 {
        %sub3A = arith.constant 2 : i32
        %sub3A_366 = arith.subi %add3A_298, %sub3A : i32
        %mul3A_367 = arith.constant 80 : i32
        %mul3A_368 = arith.muli %sub3A_366, %mul3A_367 : i32
        %add3A_369 = arith.addi %mul3A_2, %mul3A_368 : i32
        %dma_wait3A_370 = arith.constant 1 : i32
        %dma_wait3A_371 = arith.constant 0 : i32
        %dma_wait3A_372 = tpu.memref_slice %arg6[%add3A_369, %dma_wait3A_371] : memref<204800x128xf32, #tpu.memory_space<hbm>> -> memref<80x128xf32, #tpu.memory_space<hbm>>
        %dma_wait3A_373 = arith.constant 0 : i32
        %dma_wait3A_374 = arith.constant 0 : i32
        %dma_wait3A_375 = tpu.memref_slice %arg10[%arg1, %dma_wait3A_370, %dma_wait3A_373, %dma_wait3A_374] : memref<16x4x80x128xf32, #tpu.memory_space<vmem_shared>> -> memref<1x1x80x128xf32, #tpu.memory_space<vmem_shared>>
        %dma_wait3A_376 = tpu.memref_squeeze %dma_wait3A_375 : memref<1x1x80x128xf32, #tpu.memory_space<vmem_shared>> -> memref<80x128xf32, #tpu.memory_space<vmem_shared>>
        tpu.wait_dma2 semaphore(%arg24 : memref<!tpu.dma_semaphore, #tpu.memory_space<semaphore_mem>>) src(%dma_wait3A_376 : memref<80x128xf32, #tpu.memory_space<vmem_shared>>) dst(%dma_wait3A_372 : memref<80x128xf32, #tpu.memory_space<hbm>>)
        %add3A_377 = arith.constant 2 : i32
        %add3A_378 = arith.addi %add3A_298, %add3A_377 : i32
        %mul3A_379 = arith.constant 80 : i32
        %mul3A_380 = arith.muli %add3A_378, %mul3A_379 : i32
        %add3A_381 = arith.addi %mul3A_2, %mul3A_380 : i32
        %dma_start3A_382 = arith.constant 1 : i32
        %dma_start3A_383 = arith.constant 0 : i32
        %dma_start3A_384 = arith.constant 0 : i32
        %dma_start3A_385 = tpu.memref_slice %arg10[%arg1, %dma_start3A_382, %dma_start3A_383, %dma_start3A_384] : memref<16x4x80x128xf32, #tpu.memory_space<vmem_shared>> -> memref<1x1x80x128xf32, #tpu.memory_space<vmem_shared>>
        %dma_start3A_386 = tpu.memref_squeeze %dma_start3A_385 : memref<1x1x80x128xf32, #tpu.memory_space<vmem_shared>> -> memref<80x128xf32, #tpu.memory_space<vmem_shared>>
        %dma_start3A_387 = arith.constant 0 : i32
        %dma_start3A_388 = tpu.memref_slice %arg2[%add3A_381, %dma_start3A_387] : memref<204800x128xf32, #tpu.memory_space<hbm>> -> memref<80x128xf32, #tpu.memory_space<hbm>>
        tpu.enqueue_dma source(%dma_start3A_388 : memref<80x128xf32, #tpu.memory_space<hbm>>) target(%dma_start3A_386 : memref<80x128xf32, #tpu.memory_space<vmem_shared>>) target_semaphore(%arg12 : memref<!tpu.dma_semaphore, #tpu.memory_space<semaphore_mem>>)
      } else {
      }
      %lt3A_304 = arith.constant 78 : i32
      %lt3A_305 = arith.cmpi slt, %add3A_298, %lt3A_304 : i32
      %convert_element_type3A_306 = arith.extui %lt3A_305 : i1 to i32
      %cond3A_307 = arith.constant 0 : i32
      %cond3A_308 = arith.cmpi ne, %convert_element_type3A_306, %cond3A_307 : i32
      scf.if %cond3A_308 {
        %add3A_366 = arith.constant 2 : i32
        %add3A_367 = arith.addi %add3A_298, %add3A_366 : i32
        %dma_start3A_368 = arith.constant 1 : i32
        %dma_start3A_369 = arith.constant 0 : i32
        %dma_start3A_370 = arith.constant 0 : i32
        %dma_start3A_371 = tpu.memref_slice %arg9[%dma_start3A_368, %dma_start3A_369, %dma_start3A_370] : memref<4x80x128xf32, #tpu.memory_space<vmem>> -> memref<1x80x128xf32, #tpu.memory_space<vmem>>
        %dma_start3A_372 = tpu.memref_squeeze %dma_start3A_371 : memref<1x80x128xf32, #tpu.memory_space<vmem>> -> memref<80x128xf32, #tpu.memory_space<vmem>>
        %dma_start3A_373 = arith.constant 0 : i32
        %dma_start3A_374 = tpu.memref_slice %arg7[%add3A_367, %dma_start3A_373] : memref<80x80xi32, #tpu.memory_space<vmem>> -> memref<1x80xi32, #tpu.memory_space<vmem>>
        %dma_start3A_375 = tpu.memref_squeeze %dma_start3A_374 : memref<1x80xi32, #tpu.memory_space<vmem>> -> memref<80xi32, #tpu.memory_space<vmem>>
        %dma_start3A_376 = arith.constant 0 : i32
        %dma_start3A_377 = arith.constant 0 : i32
        %dma_start3A_378 = tpu.memref_slice %arg5[%dma_start3A_376, %dma_start3A_377] : memref<100000x128xf32, #tpu.memory_space<hbm>> -> memref<100000x128xf32, #tpu.memory_space<hbm>>
        tpu.enqueue_indirect_dma source(%dma_start3A_378 : memref<100000x128xf32, #tpu.memory_space<hbm>>) target(%dma_start3A_372 : memref<80x128xf32, #tpu.memory_space<vmem>>) offsets(%dma_start3A_375 : memref<80xi32, #tpu.memory_space<vmem>>) semaphore(%arg16 : memref<!tpu.dma_semaphore, #tpu.memory_space<semaphore_mem>>)
      } else {
      }
      %mul3A_309 = arith.constant 80 : i32
      %mul3A_310 = arith.muli %add3A_298, %mul3A_309 : i32
      %add3A_311 = arith.addi %mul3A_2, %mul3A_310 : i32
      %dma_wait3A_312 = arith.constant 3 : i32
      %dma_wait3A_313 = arith.constant 0 : i32
      %dma_wait3A_314 = arith.constant 0 : i32
      %dma_wait3A_315 = tpu.memref_slice %arg10[%arg1, %dma_wait3A_312, %dma_wait3A_313, %dma_wait3A_314] : memref<16x4x80x128xf32, #tpu.memory_space<vmem_shared>> -> memref<1x1x80x128xf32, #tpu.memory_space<vmem_shared>>
      %dma_wait3A_316 = tpu.memref_squeeze %dma_wait3A_315 : memref<1x1x80x128xf32, #tpu.memory_space<vmem_shared>> -> memref<80x128xf32, #tpu.memory_space<vmem_shared>>
      %dma_wait3A_317 = arith.constant 0 : i32
      %dma_wait3A_318 = tpu.memref_slice %arg2[%add3A_311, %dma_wait3A_317] : memref<204800x128xf32, #tpu.memory_space<hbm>> -> memref<80x128xf32, #tpu.memory_space<hbm>>
      tpu.wait_dma2 semaphore(%arg14 : memref<!tpu.dma_semaphore, #tpu.memory_space<semaphore_mem>>) src(%dma_wait3A_318 : memref<80x128xf32, #tpu.memory_space<hbm>>) dst(%dma_wait3A_316 : memref<80x128xf32, #tpu.memory_space<vmem_shared>>)
      %dma_wait3A_319 = arith.constant 3 : i32
      %dma_wait3A_320 = arith.constant 0 : i32
      %dma_wait3A_321 = arith.constant 0 : i32
      %dma_wait3A_322 = tpu.memref_slice %arg9[%dma_wait3A_319, %dma_wait3A_320, %dma_wait3A_321] : memref<4x80x128xf32, #tpu.memory_space<vmem>> -> memref<1x80x128xf32, #tpu.memory_space<vmem>>
      %dma_wait3A_323 = tpu.memref_squeeze %dma_wait3A_322 : memref<1x80x128xf32, #tpu.memory_space<vmem>> -> memref<80x128xf32, #tpu.memory_space<vmem>>
      %dma_wait3A_324 = arith.constant 0 : i32
      %dma_wait3A_325 = tpu.memref_slice %arg7[%add3A_298, %dma_wait3A_324] : memref<80x80xi32, #tpu.memory_space<vmem>> -> memref<1x80xi32, #tpu.memory_space<vmem>>
      %dma_wait3A_326 = tpu.memref_squeeze %dma_wait3A_325 : memref<1x80xi32, #tpu.memory_space<vmem>> -> memref<80xi32, #tpu.memory_space<vmem>>
      %dma_wait3A_327 = arith.constant 0 : i32
      %dma_wait3A_328 = arith.constant 0 : i32
      %dma_wait3A_329 = tpu.memref_slice %arg5[%dma_wait3A_327, %dma_wait3A_328] : memref<100000x128xf32, #tpu.memory_space<hbm>> -> memref<100000x128xf32, #tpu.memory_space<hbm>>
      tpu.wait_indirect_dma semaphore(%arg18 : memref<!tpu.dma_semaphore, #tpu.memory_space<semaphore_mem>>) src(%dma_wait3A_329 : memref<100000x128xf32, #tpu.memory_space<hbm>>) dst(%dma_wait3A_323 : memref<80x128xf32, #tpu.memory_space<vmem>>)
      %dma_start3A_330 = arith.constant 3 : i32
      %dma_start3A_331 = arith.constant 3 : i32
      %dma_start3A_332 = arith.constant 0 : i32
      %dma_start3A_333 = arith.constant 0 : i32
      %dma_start3A_334 = tpu.memref_slice %arg9[%dma_start3A_330, %dma_start3A_332, %dma_start3A_333] : memref<4x80x128xf32, #tpu.memory_space<vmem>> -> memref<1x80x128xf32, #tpu.memory_space<vmem>>
      %dma_start3A_335 = tpu.memref_squeeze %dma_start3A_334 : memref<1x80x128xf32, #tpu.memory_space<vmem>> -> memref<80x128xf32, #tpu.memory_space<vmem>>
      %dma_start3A_336 = arith.constant 0 : i32
      %dma_start3A_337 = arith.constant 0 : i32
      %dma_start3A_338 = tpu.memref_slice %arg10[%arg1, %dma_start3A_331, %dma_start3A_336, %dma_start3A_337] : memref<16x4x80x128xf32, #tpu.memory_space<vmem_shared>> -> memref<1x1x80x128xf32, #tpu.memory_space<vmem_shared>>
      %dma_start3A_339 = tpu.memref_squeeze %dma_start3A_338 : memref<1x1x80x128xf32, #tpu.memory_space<vmem_shared>> -> memref<80x128xf32, #tpu.memory_space<vmem_shared>>
      %dma_start3A_340 = arith.constant 0 : i32
      %dma_start3A_341 = arith.constant 0 : i32
      %dma_start3A_342 = tpu.memref_slice %dma_start3A_339[%dma_start3A_340, %dma_start3A_341] : memref<80x128xf32, #tpu.memory_space<vmem_shared>> -> memref<80x128xf32, #tpu.memory_space<vmem_shared>>
      tpu.enqueue_indirect_dma source(%dma_start3A_335 : memref<80x128xf32, #tpu.memory_space<vmem>>) target(%dma_start3A_342 : memref<80x128xf32, #tpu.memory_space<vmem_shared>>) offsets(%arg8 : memref<80xi32, #tpu.memory_space<vmem>>) semaphore(%arg22 : memref<!tpu.dma_semaphore, #tpu.memory_space<semaphore_mem>>) {add = true}
      %dma_wait3A_343 = arith.constant 3 : i32
      %dma_wait3A_344 = arith.constant 3 : i32
      %dma_wait3A_345 = arith.constant 0 : i32
      %dma_wait3A_346 = arith.constant 0 : i32
      %dma_wait3A_347 = tpu.memref_slice %arg9[%dma_wait3A_343, %dma_wait3A_345, %dma_wait3A_346] : memref<4x80x128xf32, #tpu.memory_space<vmem>> -> memref<1x80x128xf32, #tpu.memory_space<vmem>>
      %dma_wait3A_348 = tpu.memref_squeeze %dma_wait3A_347 : memref<1x80x128xf32, #tpu.memory_space<vmem>> -> memref<80x128xf32, #tpu.memory_space<vmem>>
      %dma_wait3A_349 = arith.constant 0 : i32
      %dma_wait3A_350 = arith.constant 0 : i32
      %dma_wait3A_351 = tpu.memref_slice %arg10[%arg1, %dma_wait3A_344, %dma_wait3A_349, %dma_wait3A_350] : memref<16x4x80x128xf32, #tpu.memory_space<vmem_shared>> -> memref<1x1x80x128xf32, #tpu.memory_space<vmem_shared>>
      %dma_wait3A_352 = tpu.memref_squeeze %dma_wait3A_351 : memref<1x1x80x128xf32, #tpu.memory_space<vmem_shared>> -> memref<80x128xf32, #tpu.memory_space<vmem_shared>>
      %dma_wait3A_353 = arith.constant 0 : i32
      %dma_wait3A_354 = arith.constant 0 : i32
      %dma_wait3A_355 = tpu.memref_slice %dma_wait3A_352[%dma_wait3A_353, %dma_wait3A_354] : memref<80x128xf32, #tpu.memory_space<vmem_shared>> -> memref<80x128xf32, #tpu.memory_space<vmem_shared>>
      tpu.wait_indirect_dma semaphore(%arg22 : memref<!tpu.dma_semaphore, #tpu.memory_space<semaphore_mem>>) src(%dma_wait3A_348 : memref<80x128xf32, #tpu.memory_space<vmem>>) dst(%dma_wait3A_355 : memref<80x128xf32, #tpu.memory_space<vmem_shared>>)
      %mul3A_356 = arith.constant 80 : i32
      %mul3A_357 = arith.muli %add3A_298, %mul3A_356 : i32
      %add3A_358 = arith.addi %mul3A_2, %mul3A_357 : i32
      %dma_start3A_359 = arith.constant 3 : i32
      %dma_start3A_360 = arith.constant 0 : i32
      %dma_start3A_361 = tpu.memref_slice %arg6[%add3A_358, %dma_start3A_360] : memref<204800x128xf32, #tpu.memory_space<hbm>> -> memref<80x128xf32, #tpu.memory_space<hbm>>
      %dma_start3A_362 = arith.constant 0 : i32
      %dma_start3A_363 = arith.constant 0 : i32
      %dma_start3A_364 = tpu.memref_slice %arg10[%arg1, %dma_start3A_359, %dma_start3A_362, %dma_start3A_363] : memref<16x4x80x128xf32, #tpu.memory_space<vmem_shared>> -> memref<1x1x80x128xf32, #tpu.memory_space<vmem_shared>>
      %dma_start3A_365 = tpu.memref_squeeze %dma_start3A_364 : memref<1x1x80x128xf32, #tpu.memory_space<vmem_shared>> -> memref<80x128xf32, #tpu.memory_space<vmem_shared>>
      tpu.enqueue_dma source(%dma_start3A_365 : memref<80x128xf32, #tpu.memory_space<vmem_shared>>) target(%dma_start3A_361 : memref<80x128xf32, #tpu.memory_space<hbm>>) target_semaphore(%arg26 : memref<!tpu.dma_semaphore, #tpu.memory_space<semaphore_mem>>)
    }
    %scan3A_48 = arith.constant 20 : i32
    %add3A_49 = arith.constant 6080 : i32
    %add3A_50 = arith.addi %mul3A_2, %add3A_49 : i32
    %dma_wait3A = arith.constant 0 : i32
    %dma_wait3A_51 = arith.constant 0 : i32
    %dma_wait3A_52 = tpu.memref_slice %arg6[%add3A_50, %dma_wait3A_51] : memref<204800x128xf32, #tpu.memory_space<hbm>> -> memref<80x128xf32, #tpu.memory_space<hbm>>
    %dma_wait3A_53 = arith.constant 0 : i32
    %dma_wait3A_54 = arith.constant 0 : i32
    %dma_wait3A_55 = tpu.memref_slice %arg10[%arg1, %dma_wait3A, %dma_wait3A_53, %dma_wait3A_54] : memref<16x4x80x128xf32, #tpu.memory_space<vmem_shared>> -> memref<1x1x80x128xf32, #tpu.memory_space<vmem_shared>>
    %dma_wait3A_56 = tpu.memref_squeeze %dma_wait3A_55 : memref<1x1x80x128xf32, #tpu.memory_space<vmem_shared>> -> memref<80x128xf32, #tpu.memory_space<vmem_shared>>
    tpu.wait_dma2 semaphore(%arg23 : memref<!tpu.dma_semaphore, #tpu.memory_space<semaphore_mem>>) src(%dma_wait3A_56 : memref<80x128xf32, #tpu.memory_space<vmem_shared>>) dst(%dma_wait3A_52 : memref<80x128xf32, #tpu.memory_space<hbm>>)
    %add3A_57 = arith.constant 6160 : i32
    %add3A_58 = arith.addi %mul3A_2, %add3A_57 : i32
    %dma_wait3A_59 = arith.constant 1 : i32
    %dma_wait3A_60 = arith.constant 0 : i32
    %dma_wait3A_61 = tpu.memref_slice %arg6[%add3A_58, %dma_wait3A_60] : memref<204800x128xf32, #tpu.memory_space<hbm>> -> memref<80x128xf32, #tpu.memory_space<hbm>>
    %dma_wait3A_62 = arith.constant 0 : i32
    %dma_wait3A_63 = arith.constant 0 : i32
    %dma_wait3A_64 = tpu.memref_slice %arg10[%arg1, %dma_wait3A_59, %dma_wait3A_62, %dma_wait3A_63] : memref<16x4x80x128xf32, #tpu.memory_space<vmem_shared>> -> memref<1x1x80x128xf32, #tpu.memory_space<vmem_shared>>
    %dma_wait3A_65 = tpu.memref_squeeze %dma_wait3A_64 : memref<1x1x80x128xf32, #tpu.memory_space<vmem_shared>> -> memref<80x128xf32, #tpu.memory_space<vmem_shared>>
    tpu.wait_dma2 semaphore(%arg24 : memref<!tpu.dma_semaphore, #tpu.memory_space<semaphore_mem>>) src(%dma_wait3A_65 : memref<80x128xf32, #tpu.memory_space<vmem_shared>>) dst(%dma_wait3A_61 : memref<80x128xf32, #tpu.memory_space<hbm>>)
    %add3A_66 = arith.constant 6240 : i32
    %add3A_67 = arith.addi %mul3A_2, %add3A_66 : i32
    %dma_wait3A_68 = arith.constant 2 : i32
    %dma_wait3A_69 = arith.constant 0 : i32
    %dma_wait3A_70 = tpu.memref_slice %arg6[%add3A_67, %dma_wait3A_69] : memref<204800x128xf32, #tpu.memory_space<hbm>> -> memref<80x128xf32, #tpu.memory_space<hbm>>
    %dma_wait3A_71 = arith.constant 0 : i32
    %dma_wait3A_72 = arith.constant 0 : i32
    %dma_wait3A_73 = tpu.memref_slice %arg10[%arg1, %dma_wait3A_68, %dma_wait3A_71, %dma_wait3A_72] : memref<16x4x80x128xf32, #tpu.memory_space<vmem_shared>> -> memref<1x1x80x128xf32, #tpu.memory_space<vmem_shared>>
    %dma_wait3A_74 = tpu.memref_squeeze %dma_wait3A_73 : memref<1x1x80x128xf32, #tpu.memory_space<vmem_shared>> -> memref<80x128xf32, #tpu.memory_space<vmem_shared>>
    tpu.wait_dma2 semaphore(%arg25 : memref<!tpu.dma_semaphore, #tpu.memory_space<semaphore_mem>>) src(%dma_wait3A_74 : memref<80x128xf32, #tpu.memory_space<vmem_shared>>) dst(%dma_wait3A_70 : memref<80x128xf32, #tpu.memory_space<hbm>>)
    %add3A_75 = arith.constant 6320 : i32
    %add3A_76 = arith.addi %mul3A_2, %add3A_75 : i32
    %dma_wait3A_77 = arith.constant 3 : i32
    %dma_wait3A_78 = arith.constant 0 : i32
    %dma_wait3A_79 = tpu.memref_slice %arg6[%add3A_76, %dma_wait3A_78] : memref<204800x128xf32, #tpu.memory_space<hbm>> -> memref<80x128xf32, #tpu.memory_space<hbm>>
    %dma_wait3A_80 = arith.constant 0 : i32
    %dma_wait3A_81 = arith.constant 0 : i32
    %dma_wait3A_82 = tpu.memref_slice %arg10[%arg1, %dma_wait3A_77, %dma_wait3A_80, %dma_wait3A_81] : memref<16x4x80x128xf32, #tpu.memory_space<vmem_shared>> -> memref<1x1x80x128xf32, #tpu.memory_space<vmem_shared>>
    %dma_wait3A_83 = tpu.memref_squeeze %dma_wait3A_82 : memref<1x1x80x128xf32, #tpu.memory_space<vmem_shared>> -> memref<80x128xf32, #tpu.memory_space<vmem_shared>>
    tpu.wait_dma2 semaphore(%arg26 : memref<!tpu.dma_semaphore, #tpu.memory_space<semaphore_mem>>) src(%dma_wait3A_83 : memref<80x128xf32, #tpu.memory_space<vmem_shared>>) dst(%dma_wait3A_79 : memref<80x128xf32, #tpu.memory_space<hbm>>)
    return
  }
}

</mosaic_0001>

<sc_bundles>
// kernel: kernel.3.cloned.1.call-start
scs
__scs_entry_jumppad:
0x0: {  	(pc) =	sbr.rel $0x88, $3  }
0x1: {  	(tag) =	ssettag $0x0;
	lr =	simm.s32 $0x1  }
0x2: {  	[smem:$0x3F9E] =	sst lr;
	_ =	strace $0xD0000000  }
0x3: {  	_ = 	snop  }
0x4: {  	_ = 	snop  }
0x5: {  	_ = 	snop  }
0x6: {  	_ = 	snop  }
0x7: {  	_ = 	snop  }
__scs_overlays_trampoline_lowered:
0x8: {  	[smem:$0x3FAD] =	sst s0  }
0x9: {  	[smem:$0x3FAE] =	sst s1  }
0xa: {  	[smem:$0x3FAF] =	sst s2  }
0xb: {  	[smem:$0x3FB0] =	sst s3  }
0xc: {  	[smem:$0x3FB1] =	sst s4  }
0xd: {  	[smem:$0x3FB2] =	sst s5  }
0xe: {  	[smem:$0x3FB3] =	sst s6  }
0xf: {  	[smem:$0x3FB4] =	sst s7  }
0x10: {  	[smem:$0x3FB5] =	sst s8  }
0x11: {  	[smem:$0x3FB6] =	sst s9;
	s0 =	simm.s32 @!p0 $0x0  }
0x12: {  	s1 =	sld [smem:$0x3F9C];
	s0 =	simm.s32 @p0 $0x1  }
0x13: {  	[smem:$0x3FB7] =	sst s0;
	s0 =	simm.s32 @!p1 $0x0  }
0x14: {  	s2 =	sld [smem:$0x3F9B];
	s0 =	simm.s32 @p1 $0x1  }
0x15: {  	[smem:$0x3FB8] =	sst s0;
	s0 =	simm.s32 @!p2 $0x0  }
0x16: {  	s3 =	sld [smem:$0x3FDB];
	s0 =	simm.s32 @p2 $0x1  }
0x17: {  	s4 =	simm.s32 $0x1BF5;
	[smem:$0x3FBA] =	sst s0  }
0x18: {  	s0 =	sld [smem:$0x3F9D];
	_ =	swait.ge [sflag:s4], $0x0  }
0x19: {  	s7 =	sld [smem:$0x3F9E]  }
0x1a: {  	s8 =	sadd.s32 $0xFFFFE003, lr  }
0x1b: {  	s9 =	sadd.s32 $0xFFFFFEF7, lr;
	s5 =	simm.s32 $0xFFFFFFFF;
	p2 =	slt.u32 s8, $0xFFFFF086  }
0x1c: {  	p1 =	slt.u32 s9, $0xF7A;
	s5 =	simm.s32 @!p2 $0x0  }
0x1d: {  	s5 =	simm.s32 @p1 $0x1;
	p0 =	seq.s32 s7, s2  }
0x1e: {  	s7 =	smul.u32 @!p0 $0xF7A, s2;
	p2 =	seq.s32 @!p0 s5, $0x0  }
0x1f: {  	s9 =	smul.u32 $0xF7A, s1;
	s8 =	simm.s32 @!p0 $0x1BF5;
	p2 =	por !p2, p0  }
0x20: {  	[sflag:s8] =	ssyncset.s32 @!p0 $0xFFFFF086;
	s6 =	sadd.s32 @!p0 s3, s7;
	s7 =	simm.s32 @!p0 $0x108  }
0x21: {  	s3 =	sadd.s32 s3, s9;
	s6 =	sadd.s32 @!p0 $0x88, s6;
	s7 =	simm.s32 @p2 $0x1082  }
0x22: {  	[simem:s7], [sflag:s8] =	dma.local @!p0 [hbm:s6], $0xF7A  }
0x23: {  	s9 =	sor.u32 $0xD0000000, s2;
	s6 =	simm.s32 $0x108;
	_ =	swait.ge @!p0 [sflag:s8], $0x0  }
0x24: {  	s3 =	sadd.s32 $0x88, s3;
	s6 =	simm.s32 @!p1 $0x1082;
	[sflag:s4] =	ssyncset.s32 $0xFFFFF086  }
0x25: {  	[simem:s6], [sflag:s4] =	dma.local [hbm:s3], $0xF7A  }
0x26: {  	[smem:$0x3F9E] =	sst s1;
	(tag) =	ssettag s2;
	_ =	strace s9  }
0x27: {  	s1 =	sld [smem:$0x3FAE]  }
0x28: {  	s2 =	sld [smem:$0x3FAF]  }
0x29: {  	s4 =	sld [smem:$0x3FB1]  }
0x2a: {  	p0 =	seq.s32 s5, $0x0;
	s5 =	sld [smem:$0x3FB2]  }
0x2b: {  	s6 =	sld [smem:$0x3FB3]  }
0x2c: {  	s7 =	sld [smem:$0x3FB4]  }
0x2d: {  	s3 =	simm.s32 $0x108;
	s8 =	sld [smem:$0x3FB5]  }
0x2e: {  	s3 =	simm.s32 @!p0 $0x1082;
	s9 =	sld [smem:$0x3FB6]  }
0x2f: {  	lr =	sadd.s32 s0, s3;
	s0 =	sld [smem:$0x3FAD]  }
0x30: {  	s3 =	sld [smem:$0x3FB0]  }
0x31: {  	[smem:$0x3FB9] =	sst s10  }
0x32: {  	s10 =	sld [smem:$0x3FB7];
	_ =	sdelay $0x3  }
0x33: {  	p0 =	seq.s32 s10, $0x1;
	s10 =	sld [smem:$0x3FB9];
	_ =	sdelay $0x3  }
0x34: {  	[smem:$0x3FB9] =	sst s10  }
0x35: {  	s10 =	sld [smem:$0x3FB8];
	_ =	sdelay $0x3  }
0x36: {  	p1 =	seq.s32 s10, $0x1;
	s10 =	sld [smem:$0x3FB9];
	_ =	sdelay $0x3  }
0x37: {  	[smem:$0x3FB9] =	sst s10  }
0x38: {  	s10 =	sld [smem:$0x3FBA]  }
0x39: {  	_ = 	snop;
	(pc) =	sbr.ind lr, $3  }
0x3a: {  	_ = 	snop  }
0x3b: {  	_ = 	snop  }
0x3c: {  	p2 =	seq.s32 s10, $0x1;
	s10 =	sld [smem:$0x3FB9]  }
0x3d: {  	_ =	shalt  }
0x3e: {  	_ =	shalt  }
0x3f: {  	_ =	shalt  }
0x40: {  	_ =	shalt  }
0x41: {  	_ =	shalt  }
0x42: {  	_ =	shalt  }
0x43: {  	_ =	shalt  }
0x44: {  	_ =	shalt  }
0x45: {  	_ =	shalt  }
0x46: {  	_ =	shalt  }
0x47: {  	_ =	shalt  }
0x48: {  	_ =	shalt  }
0x49: {  	_ =	shalt  }
0x4a: {  	_ =	shalt  }
0x4b: {  	_ =	shalt  }
0x4c: {  	_ =	shalt  }
0x4d: {  	_ =	shalt  }
0x4e: {  	_ =	shalt  }
0x4f: {  	_ =	shalt  }
0x50: {  	_ =	shalt  }
0x51: {  	_ =	shalt  }
0x52: {  	_ =	shalt  }
0x53: {  	_ =	shalt  }
0x54: {  	_ =	shalt  }
0x55: {  	_ =	shalt  }
0x56: {  	_ =	shalt  }
0x57: {  	_ =	shalt  }
0x58: {  	_ =	shalt  }
0x59: {  	_ =	shalt  }
0x5a: {  	_ =	shalt  }
0x5b: {  	_ =	shalt  }
0x5c: {  	_ =	shalt  }
0x5d: {  	_ =	shalt  }
0x5e: {  	_ =	shalt  }
0x5f: {  	_ =	shalt  }
0x60: {  	_ =	shalt  }
0x61: {  	_ =	shalt  }
0x62: {  	_ =	shalt  }
0x63: {  	_ =	shalt  }
0x64: {  	_ =	shalt  }
0x65: {  	_ =	shalt  }
0x66: {  	_ =	shalt  }
0x67: {  	_ =	shalt  }
0x68: {  	_ =	shalt  }
0x69: {  	_ =	shalt  }
0x6a: {  	_ =	shalt  }
0x6b: {  	_ =	shalt  }
0x6c: {  	_ =	shalt  }
0x6d: {  	_ =	shalt  }
0x6e: {  	_ =	shalt  }
0x6f: {  	_ =	shalt  }
0x70: {  	_ =	shalt  }
0x71: {  	_ =	shalt  }
0x72: {  	_ =	shalt  }
0x73: {  	_ =	shalt  }
0x74: {  	_ =	shalt  }
0x75: {  	_ =	shalt  }
0x76: {  	_ =	shalt  }
0x77: {  	_ =	shalt  }
0x78: {  	_ =	shalt  }
0x79: {  	_ =	shalt  }
0x7a: {  	_ =	shalt  }
0x7b: {  	_ =	shalt  }
0x7c: {  	_ =	shalt  }
0x7d: {  	_ =	shalt  }
0x7e: {  	_ =	shalt  }
0x7f: {  	_ =	shalt  }
0x80: {  	_ =	shalt  }
0x81: {  	_ =	shalt  }
0x82: {  	_ =	shalt  }
0x83: {  	_ =	shalt  }
0x84: {  	_ =	shalt  }
0x85: {  	_ =	shalt  }
0x86: {  	_ =	shalt  }
0x87: {  	_ =	shalt  }
.Lfunc_end0:
.L_simem_size_0:
called_computation_lowered:
.L_overlay_start_0:
0x88: {  	s2 =	sld [smem:$0x3FD9]  }
0x89: {  	s3 =	sld [smem:$0x3FFE];
	_ =	sdelay $0x1  }
0x8a: {  	s1 =	srdreg.scid  }
0x8b: {  	s0 =	sand.u32 $0x1, s1  }
0x8c: {  	s17 =	sshll.u32 s0, $0xA;
	s2 =	sadd.s32 s3, s2  }
0x8d: {  	s2 =	sadd.s32 s2, s17  }
0x8e: {  	[smem:$0x3FC5] =	sst s2  }
0x8f: {  	_ = 	snop  }
0x90: {  	s2 =	sld [smem:$0x3FC9]  }
0x91: {  	s18 =	sld [smem:$0x3FC7]  }
0x92: {  	s4 =	sld [smem:$0x3FD0];
	(tm) =	ssettm $0x1  }
0x93: {  	s5 =	sld [smem:$0x3FFB];
	_ =	sdelay $0x3  }
0x94: {  	_ =	strace s5  }
0x95: {  	s5 =	sld [smem:$0x3FFC];
	_ =	sdelay $0x3  }
0x96: {  	_ =	strace s5  }
0x97: {  	s5 =	sld [smem:$0x3FFD];
	_ =	sdelay $0x3  }
0x98: {  	_ =	strace s5  }
0x99: {  	_ =	strace $0x8FFFFFFF  }
0x9a: {  	s19 =	sld [smem:$0x3FDB];
	_ =	sdelay $0x1  }
0x9b: {  	s6 =	simm.s32 $_scs_section_size  }
0x9c: {  	s7 =	simm.s32 $_size__tile_overlayer_lowered;
	s8 =	simm.s32 $_tile_overlayer_lowered  }
0x9d: {  	s22 =	simm.s32 $0x1BFF;
	s21 =	sshll.u32 s8, $0x1;
	s5 =	sadd.s32 s6, s19  }
0x9e: {  	s9 =	simm.s32 $0x0;
	s20 =	sshll.u32 s7, $0x1;
	s7 =	sadd.s32 s21, s5  }
0x9f: {  	[timem:s9], [sflag:s22] =	dma.local [hbm:s7], s20  }
0xa0: {  	_ =	swait.ge [sflag:s22], s20  }
0xa1: {  	s6 =	ssub.s32 $0x0, s20;
	[sflag:s22] =	ssyncset.done $0x0  }
0xa2: {  	[sflag:s22] =	ssyncadd.s32 s6;
	_ =	sdelay $0x1  }
0xa3: {  	s23 =	simm.s32 $0x1B8B  }
0xa4: {  	_ =	swait.ge [sflag:s23], $0x1  }
0xa5: {  	[sflag:s23] =	ssyncset.done $0x0  }
0xa6: {  	s25 =	simm.s32 $0x1B8E;
	s24 =	sld [smem:$0x3FFE];
	[sflag:s23] =	ssyncadd.s32 $0xFFFFFFFF  }
0xa7: {  	s26 =	simm.s32 $execute0_lowered;
	[smem:$0x3FD2] =	sst s25  }
0xa8: {  	s7 =	sshll.u32 s26, $0x1;
	_ =	strace $0x80000046;
	[dreg:$0x1] =	wrdreg $0xFFFFFFFF  }
0xa9: {  	s28 =	simm.s32 $_size_execute0_lowered;
	s5 =	sadd.s32 s5, s7;
	[dreg:$0x0] =	wrdreg $0x0  }
0xaa: {  	s7 =	sshll.u32 s28, $0x1;
	[dreg:$0x2] =	wrdreg s5  }
0xab: {  	[dreg:$0x3] =	wrdreg s7  }
0xac: {  	[dreg:$0x4] =	wrdreg $0xC0  }
0xad: {  	_ =	task [dreg:s9], $0x5FFFF  }
0xae: {  	[dreg:$0x1] =	wrdreg $0xFFFFFFFF  }
0xaf: {  	[dreg:$0x0] =	wrdreg $0x60  }
0xb0: {  	[dreg:$0x2] =	wrdreg s2  }
0xb1: {  	[dreg:$0x3] =	wrdreg s24  }
0xb2: {  	[dreg:$0x4] =	wrdreg s18  }
0xb3: {  	[dreg:$0x5] =	wrdreg s4  }
0xb4: {  	[dreg:$0x6] =	wrdreg $0xC8800  }
0xb5: {  	[dreg:$0x7] =	wrdreg $0x9  }
0xb6: {  	_ =	task.clear_ibuf [dreg:s9], $0x8FFFF;
	_ =	strace $0x90000046  }
0xb7: {  	s29 =	simm.s32 $0x9;
	_ =	strace $0x80000048  }
0xb8: {  	_ =	swait.ge [sflag:s29], $0x1  }
0xb9: {  	[sflag:s29] =	ssyncadd.s32 $0xFFFFFFFF  }
0xba: {  	_ =	strace $0x90000048  }
0xbb: {  	_ =	sfence  }
0xbc: {  	s30 =	sld [smem:$0x0];
	_ =	sdelay $0x2  }
0xbd: {  	s31 =	sshll.u32 s1, $0xD;
	s1 =	sshrl.u32 s1, $0x2  }
0xbe: {  	s3 =	sand.u32 $0x4000, s31;
	s1 =	sadd.s32 s1, s30  }
0xbf: {  	s0 =	sor.u32 s3, s0;
	s1 =	sshll.u32 s1, $0x11  }
0xc0: {  	s0 =	sor.u32 s1, s0  }
0xc1: {  	s0 =	sadd.s32 $0x8F2B, s0  }
0xc2: {  	[sflag:s0] =	ssyncadd.remote.s32 $0x1  }
0xc3: {  	_ =	sfence.sel $0xFFFF  }
0xc4: {  	[dreg:$0x0] =	wrdreg $0xFFFFFFFF;
	(pc) =	sbr.abs _section_cstart, $3  }
0xc5: {  	[dreg:$0x1] =	wrdreg $0xFFFFFFFF  }
0xc6: {  	_ =	task.clear_ibuf [dreg:s9], $0x2FFFF;
	_ =	strace $0x9FFFFFFF  }
0xc7: {  	(tm) =	ssettm $0x7FFFFFFF  }
tec
execute0_lowered:
.L_overlay_start_1:
0x0: {  	(tag) =	ssettag $0x1  }
0x1: {  	s13 =	rddreg [dreg:$0x0]  }
0x2: {  	s0 =	rddreg [dreg:$0x1]  }
0x3: {  	s2 =	rddreg [dreg:$0x2];
	s1 =	srdreg.scid  }
0x4: {  	s12 =	stileid.u32;
	s14 =	rddreg [dreg:$0x3]  }
0x5: {  	s4 =	rddreg [dreg:$0x4];
	s6 =	simm.s32 $0x0;
	s31 =	simm.s32 $0xA080  }
0x6: {  	s1 =	sand.u32 $0x1, s1;
	s3 =	sshll.u32 s12, $0x1;
	s7 =	smul.u32 $0x28000, s12  }
0x7: {  	[smem:$0x7FF] =	sst s6;
	s25 =	smul.u32 $0x32000, s12;
	s30 =	sshll.u32 s12, $0x6  }
0x8: {  	s3 =	sor.u32 s1, s3;
	s11 =	ssub.s32 $0x2, s1;
	s1 =	smul.u32 $0x19000, s1  }
0x9: {  	s6 =	simm.s32 $0xB;
	s12 =	simm.s32 $0x8;
	s5 =	smul.u32 $0x500, s3  }
0xa: {  	_ =	strace $0x80000047;
	s16 =	smul.u32 $0x1900, s3;
	s17 =	sshrl.u32 s7, $0x2  }
0xb: {  	[dreg:$0x1c] =	wrdreg s30;
	s8 =	sshrl.u32 s11, $0x1;
	s10 =	sadd.s32 s17, s4  }
0xc: {  	s5 =	sadd.s32 s5, s0;
	s0 =	sadd.s32 $0xA400, s0;
	[dreg:$0xb] =	wrdreg s16  }
0xd: {  	s9 =	smul.u32 $0x19000, s3;
	s22 =	sadd.s32 $0x5000, s10;
	[dreg:$0x17] =	wrdreg s0  }
0xe: {  	s28 =	sadd.s32 s25, s13;
	s20 =	sor.u32 $0xF0, s16;
	[dreg:$0xc] =	wrdreg s22  }
0xf: {  	s15 =	ssub.s32 s11, s8;
	s23 =	sadd.s32 $0x7800, s10;
	[dreg:$0x7] =	wrdreg s20  }
0x10: {  	s4 =	sadd.s32 s25, s14;
	s18 =	sadd.s32 s13, s9;
	[dreg:$0xd] =	wrdreg s23  }
0x11: {  	s11 =	sadd.s32 $0x2800, s10;
	s26 =	sor.u32 $0x50, s16;
	[dreg:$0x18] =	wrdreg s18  }
0x12: {  	s16 =	sadd.s32 s1, s28;
	s29 =	sadd.s32 s1, s4;
	[dreg:$0x9] =	wrdreg s26  }
0x13: {  	s9 =	simm.s32 $0x4;
	s5 =	sadd.s32 $0x400, s5;
	[dreg:$0xa] =	wrdreg s29  }
0x14: {  	s19 =	sadd.s32 $0xA00, s18;
	s21 =	sadd.s32 $0x500, s18;
	[dreg:$0x19] =	wrdreg s5  }
0x15: {  	s24 =	sadd.s32 $0xF00, s18;
	s0 =	smax.u32 s15, $0x1;
	[dreg:$0x6] =	wrdreg s19  }
0x16: {  	s18 =	simm.s32 $0x2800;
	s20 =	simm.s32 $0x50;
	[dreg:$0x1a] =	wrdreg s21  }
0x17: {  	s22 =	simm.s32 $0x7;
	s15 =	simm.s32 $0xC;
	[dreg:$0x8] =	wrdreg s24  }
0x18: {  	[dreg:$0x1b] =	wrdreg s0;
	s0 =	simm.s32 $0x3;
	s5 =	simm.s32 $0x0  }
.LBB2_1:
0x19: {  	[dreg:$0x1d] =	wrdreg s5  }
0x1a: {  	s1 =	simm.s32 $0x0;
	s4 =	rddreg [dreg:$0x19];
	s21 =	simm.s32 $0x11  }
0x1b: {  	[tilespmem:s1], [sflag:$0x11] =	stream.linear.gather [hbm4b:s4+s1], $0x2800, $0x38;
	[tilespmem:$0x16880] =	vst v63  }
0x1c: {  	_ =	swait.ge [sflag:s21], $0x2800  }
0x1d: {  	[sflag:s21] =	ssyncset.done $0x0  }
0x1e: {  	s23 =	rddreg [dreg:$0x17];
	[sflag:s21] =	ssyncadd.s32 $0xFFFFD800  }
0x1f: {  	[tilespmem:s18], [sflag:$0x11] =	stream.linear.gather [hbm4b:s23+s1], $0x80, $0x38;
	[tilespmem:$0x16880] =	vst v63  }
0x20: {  	s3 =	sshrl.u32 s10, $0x3;
	s30 =	sshrl.u32 s11, $0x3;
	_ =	swait.ge [sflag:s21], $0x80  }
0x21: {  	s7 =	simm.s32 $0x2880;
	[sflag:s21] =	ssyncset.done $0x0;
	s23 =	rddreg [dreg:$0x1c]  }
0x22: {  	s24 =	rddreg [dreg:$0x18];
	[sflag:s21] =	ssyncadd.s32 $0xFFFFFF80;
	s29 =	sor.u32 $0x1C01, s23  }
0x23: {  	[spmem:s3], [sflag:s29] =	dma.local [hbm:s24], $0x500  }
0x24: {  	p0 =	por $0x1, $0x1;
	s28 =	sor.u32 $0x1C02, s23;
	s4 =	rddreg [dreg:$0x1a]  }
0x25: {  	[spmem:s30], [sflag:s28] =	dma.local [hbm:s4], $0x500  }
0x26: {  	[tilespmem:s7], [sflag:$0x5] =	stream.indirect.gather [hbm4b:s2+s20], $0x80, s1, s20, $0xb8;
	[tilespmem:$0x16880] =	vst v63  }
0x27: {  	s25 =	simm.s32 $0x80;
	s24 =	simm.s32 $0x5080;
	s1 =	simm.s32 @!p0 $0xF  }
0x28: {  	[tilespmem:s24], [sflag:$0x6] =	stream.indirect.gather [hbm4b:s2+s20], $0x80, s25, s20, $0xb8;
	[tilespmem:$0x16880] =	vst v63  }
0x29: {  	s5 =	sadd.s32 @!p0 $0x0, s16;
	_ =	swait.ge @!p0 [sflag:s1], $0x500  }
0x2a: {  	s13 =	sor.u32 $0x1C03, s23;
	s4 =	rddreg [dreg:$0x6];
	[sflag:s1] =	ssyncset.done @!p0 $0x0  }
0x2b: {  	s17 =	rddreg [dreg:$0xc];
	[sflag:s1] =	ssyncadd.s32 @!p0 $0xFFFFFB00;
	s1 =	sadd.s32 @!p0 $0xA00, s5  }
0x2c: {  	[dreg:$0x12] =	wrdreg s13;
	s8 =	sshrl.u32 s17, $0x3;
	s1 =	smov.u32 @p0 s4  }
0x2d: {  	[spmem:s8], [sflag:s13] =	dma.local [hbm:s1], $0x500  }
0x2e: {  	s26 =	simm.s32 $0x100;
	s25 =	simm.s32 $0x7880;
	s13 =	simm.s32 $0x1  }
0x2f: {  	[tilespmem:s25], [sflag:$0x7] =	stream.indirect.gather [hbm4b:s2+s20], $0x80, s26, s20, $0xb8;
	[tilespmem:$0x16880] =	vst v63  }
0x30: {  	_ =	swait.ge [sflag:s13], $0x500  }
0x31: {  	[sflag:s13] =	ssyncset.done $0x0  }
0x32: {  	s14 =	simm.s32 $0x5;
	[sflag:s13] =	ssyncadd.s32 $0xFFFFFB00  }
0x33: {  	_ =	swait.ge [sflag:s14], $0x2800  }
0x34: {  	s21 =	simm.s32 $0x9;
	[sflag:s14] =	ssyncset.done $0x0  }
0x35: {  	s5 =	simm.s32 @!p0 $0x10;
	s1 =	simm.s32 $0x0;
	[sflag:s14] =	ssyncadd.s32 $0xFFFFD800  }
0x36: {  	[spmem:s10] =	stream.indirect.scatter.add.f32 [tilespmem:s7], [sflag:$0x9], $0x80, s18, s20, $0xb8;
	[tilespmem:$0x16880] =	vst v63  }
0x37: {  	s1 =	simm.s32 @p0 $0x0;
	s19 =	rddreg [dreg:$0xb];
	_ =	swait.ge [sflag:s21], $0x2800  }
0x38: {  	s4 =	sadd.s32 s19, s1;
	[dreg:$0x11] =	wrdreg s3;
	[sflag:s21] =	ssyncset.done $0x0  }
0x39: {  	s26 =	sor.u32 $0x1C0D, s23;
	s4 =	sshll.u32 s4, $0x4;
	s14 =	rddreg [dreg:$0x3]  }
0x3a: {  	[dreg:$0x13] =	wrdreg s26;
	[sflag:s21] =	ssyncadd.s32 $0xFFFFD800;
	s4 =	sadd.s32 s14, s4  }
0x3b: {  	[hbm:s4], [sflag:s26] =	dma.local [spmem:s3], $0x500  }
0x3c: {  	_ =	swait.ge @!p0 [sflag:s5], $0x500  }
0x3d: {  	s13 =	simm.s32 $0x180;
	s4 =	rddreg [dreg:$0x7];
	[sflag:s5] =	ssyncset.done @!p0 $0x0  }
0x3e: {  	s7 =	rddreg [dreg:$0x8];
	s4 =	sadd.s32 @!p0 s1, s4;
	[sflag:s5] =	ssyncadd.s32 @!p0 $0xFFFFFB00  }
0x3f: {  	s26 =	simm.s32 $0xA080;
	s4 =	sshll.u32 @!p0 s4, $0x4;
	s5 =	rddreg [dreg:$0x0]  }
0x40: {  	s21 =	rddreg [dreg:$0xd];
	s4 =	sadd.s32 @!p0 s5, s4;
	s5 =	sor.u32 $0x1C04, s23  }
0x41: {  	s19 =	sshrl.u32 s21, $0x3;
	s4 =	smov.u32 @p0 s7;
	[dreg:$0x14] =	wrdreg s5  }
0x42: {  	[spmem:s19], [sflag:s5] =	dma.local [hbm:s4], $0x500  }
0x43: {  	[tilespmem:s26], [sflag:$0x8] =	stream.indirect.gather [hbm4b:s2+s20], $0x80, s13, s20, $0xb8;
	[tilespmem:$0x16880] =	vst v63  }
0x44: {  	s13 =	simm.s32 $0x2  }
0x45: {  	_ =	swait.ge [sflag:s13], $0x500  }
0x46: {  	[sflag:s13] =	ssyncset.done $0x0  }
0x47: {  	s3 =	simm.s32 $0x6;
	[sflag:s13] =	ssyncadd.s32 $0xFFFFFB00  }
0x48: {  	_ =	swait.ge [sflag:s3], $0x2800  }
0x49: {  	[sflag:s3] =	ssyncset.done $0x0  }
0x4a: {  	s5 =	simm.s32 $0xA;
	[sflag:s3] =	ssyncadd.s32 $0xFFFFD800  }
0x4b: {  	[spmem:s11] =	stream.indirect.scatter.add.f32 [tilespmem:s24], [sflag:$0xA], $0x80, s18, s20, $0xb8;
	[tilespmem:$0x16880] =	vst v63  }
0x4c: {  	p0 =	por $0x0, $0x0;
	_ =	swait.ge [sflag:s5], $0x2800  }
0x4d: {  	s4 =	simm.s32 @!p0 $0xD;
	s7 =	rddreg [dreg:$0x9]  }
0x4e: {  	s13 =	sor.u32 $0x1C0E, s23;
	[dreg:$0x10] =	wrdreg s30;
	s1 =	sadd.s32 s1, s7  }
0x4f: {  	[dreg:$0x15] =	wrdreg s13;
	[sflag:s5] =	ssyncset.done $0x0;
	s1 =	sshll.u32 s1, $0x4  }
0x50: {  	[sflag:s5] =	ssyncadd.s32 $0xFFFFD800;
	s5 =	sadd.s32 @!p0 $0x0, s16;
	s1 =	sadd.s32 s14, s1  }
0x51: {  	[hbm:s1], [sflag:s13] =	dma.local [spmem:s30], $0x500  }
0x52: {  	s7 =	simm.s32 @!p0 $0x2880;
	s1 =	sadd.s32 @!p0 $0x1400, s5;
	_ =	swait.ge @!p0 [sflag:s4], $0x500  }
0x53: {  	s5 =	sshrl.u32 @!p0 s10, $0x3;
	s13 =	simm.s32 @!p0 $0x50;
	[sflag:s4] =	ssyncset.done @!p0 $0x0  }
0x54: {  	[dreg:$0xf] =	wrdreg s29;
	[sflag:s4] =	ssyncadd.s32 @!p0 $0xFFFFFB00;
	s4 =	simm.s32 @!p0 $0x200  }
0x55: {  	[spmem:s5], [sflag:s29] =	dma.local @!p0 [hbm:s1], $0x500  }
0x56: {  	[tilespmem:s7], [sflag:$0x5] =	stream.indirect.gather @!p0 [hbm4b:s2+s13], $0x80, s4, s13, $0xb8;
	[tilespmem:$0x16880] =	vst v63  }
0x57: {  	_ =	swait.ge [sflag:s0], $0x500  }
0x58: {  	[sflag:s0] =	ssyncset.done $0x0  }
0x59: {  	[sflag:s0] =	ssyncadd.s32 $0xFFFFFB00  }
0x5a: {  	_ =	swait.ge [sflag:s22], $0x2800  }
0x5b: {  	[sflag:s22] =	ssyncset.done $0x0  }
0x5c: {  	[sflag:s22] =	ssyncadd.s32 $0xFFFFD800  }
0x5d: {  	[spmem:s17] =	stream.indirect.scatter.add.f32 [tilespmem:s25], [sflag:$0xB], $0x80, s18, s20, $0xb8;
	[tilespmem:$0x16880] =	vst v63  }
0x5e: {  	p0 =	por $0x0, $0x0;
	_ =	swait.ge [sflag:s6], $0x2800  }
0x5f: {  	s5 =	simm.s32 @!p0 $0xE;
	s4 =	sadd.s32 @!p0 $0x0, s16;
	s24 =	rddreg [dreg:$0xa]  }
0x60: {  	s25 =	sor.u32 $0x1C0F, s23;
	[sflag:s6] =	ssyncset.done $0x0;
	s1 =	sadd.s32 $0x0, s24  }
0x61: {  	[dreg:$0x16] =	wrdreg s25;
	[sflag:s6] =	ssyncadd.s32 $0xFFFFD800;
	s30 =	sadd.s32 $0xA00, s1  }
0x62: {  	[hbm:s30], [sflag:s25] =	dma.local [spmem:s8], $0x500  }
0x63: {  	s7 =	simm.s32 @!p0 $0x5080;
	s13 =	sshrl.u32 @!p0 s11, $0x3;
	_ =	swait.ge @!p0 [sflag:s5], $0x500  }
0x64: {  	s4 =	sadd.s32 @!p0 $0x1900, s4;
	s17 =	simm.s32 @!p0 $0x50;
	[sflag:s5] =	ssyncset.done @!p0 $0x0  }
0x65: {  	[dreg:$0xe] =	wrdreg s28;
	[sflag:s5] =	ssyncadd.s32 @!p0 $0xFFFFFB00;
	s5 =	simm.s32 @!p0 $0x280  }
0x66: {  	[spmem:s13], [sflag:s28] =	dma.local @!p0 [hbm:s4], $0x500  }
0x67: {  	[tilespmem:s7], [sflag:$0x6] =	stream.indirect.gather @!p0 [hbm4b:s2+s17], $0x80, s5, s17, $0xb8;
	[tilespmem:$0x16880] =	vst v63  }
0x68: {  	_ =	swait.ge [sflag:s9], $0x500  }
0x69: {  	[sflag:s9] =	ssyncset.done $0x0  }
0x6a: {  	p1 =	por $0x0, $0x0;
	s23 =	sor.u32 $0x1C10, s23;
	[sflag:s9] =	ssyncadd.s32 $0xFFFFFB00  }
0x6b: {  	s29 =	simm.s32 $0x380;
	s24 =	smov.u32 s23;
	_ =	swait.ge [sflag:s12], $0x2800  }
0x6c: {  	s4 =	simm.s32 $0x2800;
	s13 =	sadd.s32 $0xF00, s1;
	[sflag:s12] =	ssyncset.done $0x0  }
0x6d: {  	s1 =	simm.s32 $0x140;
	s17 =	simm.s32 $0x1400;
	[sflag:s12] =	ssyncadd.s32 $0xFFFFD800  }
0x6e: {  	[spmem:s21] =	stream.indirect.scatter.add.f32 [tilespmem:s26], [sflag:$0xC], $0x80, s18, s20, $0xb8;
	[tilespmem:$0x16880] =	vst v63  }
0x6f: {  	s5 =	simm.s32 $0x7;
	s21 =	smov.u32 s23;
	_ =	swait.ge [sflag:s15], $0x2800  }
.LBB2_2:
0x70: {  	[sflag:s15] =	ssyncset.done $0x0  }
0x71: {  	s14 =	simm.s32 @!p1 $0xF;
	[sflag:s15] =	ssyncadd.s32 $0xFFFFD800  }
0x72: {  	[hbm:s13], [sflag:s21] =	dma.local [spmem:s19], $0x500  }
0x73: {  	s28 =	sadd.s32 $0xFFFFFF80, s29;
	_ =	swait.ge @!p1 [sflag:s14], $0x500  }
0x74: {  	s30 =	simm.s32 $0x7880;
	s13 =	sadd.s32 @!p1 s17, s16;
	s25 =	rddreg [dreg:$0x6]  }
0x75: {  	s13 =	sadd.s32 @!p1 $0xA00, s13;
	[sflag:s14] =	ssyncset.done @!p1 $0x0;
	s3 =	rddreg [dreg:$0x12]  }
0x76: {  	[sflag:s14] =	ssyncadd.s32 @!p1 $0xFFFFFB00;
	s13 =	smov.u32 @p1 s25;
	s25 =	simm.s32 $0x1  }
0x77: {  	[spmem:s8], [sflag:s3] =	dma.local [hbm:s13], $0x500  }
0x78: {  	[tilespmem:s30], [sflag:$0x7] =	stream.indirect.gather [hbm4b:s2+s20], $0x80, s28, s20, $0xb8;
	[tilespmem:$0x16880] =	vst v63  }
0x79: {  	_ =	swait.ge [sflag:s25], $0x500  }
0x7a: {  	[sflag:s25] =	ssyncset.done $0x0  }
0x7b: {  	s26 =	simm.s32 $0x5;
	[sflag:s25] =	ssyncadd.s32 $0xFFFFFB00  }
0x7c: {  	_ =	swait.ge [sflag:s26], $0x2800  }
0x7d: {  	s13 =	smov.u32 s1;
	[sflag:s26] =	ssyncset.done $0x0  }
0x7e: {  	s3 =	simm.s32 $0x2880;
	[sflag:s26] =	ssyncadd.s32 $0xFFFFD800;
	s26 =	simm.s32 $0x9  }
0x7f: {  	[spmem:s10] =	stream.indirect.scatter.add.f32 [tilespmem:s3], [sflag:$0x9], $0x80, s18, s20, $0xb8;
	[tilespmem:$0x16880] =	vst v63  }
0x80: {  	s13 =	simm.s32 @p1 $0x0;
	s28 =	rddreg [dreg:$0xb];
	_ =	swait.ge [sflag:s26], $0x2800  }
0x81: {  	s14 =	sadd.s32 s28, s13;
	[sflag:s26] =	ssyncset.done $0x0;
	s3 =	rddreg [dreg:$0x11]  }
0x82: {  	s25 =	simm.s32 @!p1 $0x10;
	s14 =	sshll.u32 s14, $0x4;
	s28 =	rddreg [dreg:$0x3]  }
0x83: {  	[sflag:s26] =	ssyncadd.s32 $0xFFFFD800;
	s26 =	rddreg [dreg:$0x13];
	s14 =	sadd.s32 s28, s14  }
0x84: {  	[hbm:s14], [sflag:s26] =	dma.local [spmem:s3], $0x500  }
0x85: {  	_ =	swait.ge @!p1 [sflag:s25], $0x500  }
0x86: {  	[sflag:s25] =	ssyncset.done @!p1 $0x0;
	s14 =	rddreg [dreg:$0x7]  }
0x87: {  	[sflag:s25] =	ssyncadd.s32 @!p1 $0xFFFFFB00;
	s14 =	sadd.s32 @!p1 s13, s14  }
0x88: {  	s14 =	sshll.u32 @!p1 s14, $0x4;
	s26 =	rddreg [dreg:$0x0]  }
0x89: {  	s25 =	rddreg [dreg:$0x8];
	s14 =	sadd.s32 @!p1 s26, s14  }
0x8a: {  	s26 =	rddreg [dreg:$0x14];
	s14 =	smov.u32 @p1 s25;
	s25 =	simm.s32 $0x2  }
0x8b: {  	[spmem:s19], [sflag:s26] =	dma.local [hbm:s14], $0x500  }
0x8c: {  	[tilespmem:s31], [sflag:$0x8] =	stream.indirect.gather [hbm4b:s2+s20], $0x80, s29, s20, $0xb8;
	[tilespmem:$0x16880] =	vst v63  }
0x8d: {  	_ =	swait.ge [sflag:s25], $0x500  }
0x8e: {  	[sflag:s25] =	ssyncset.done $0x0  }
0x8f: {  	s26 =	simm.s32 $0x6;
	[sflag:s25] =	ssyncadd.s32 $0xFFFFFB00  }
0x90: {  	_ =	swait.ge [sflag:s26], $0x2800  }
0x91: {  	[sflag:s26] =	ssyncset.done $0x0  }
0x92: {  	s3 =	simm.s32 $0x5080;
	s25 =	simm.s32 $0xA;
	[sflag:s26] =	ssyncadd.s32 $0xFFFFD800  }
0x93: {  	[spmem:s11] =	stream.indirect.scatter.add.f32 [tilespmem:s3], [sflag:$0xA], $0x80, s18, s20, $0xb8;
	[tilespmem:$0x16880] =	vst v63  }
0x94: {  	_ =	swait.ge [sflag:s25], $0x2800  }
0x95: {  	s26 =	rddreg [dreg:$0x9]  }
0x96: {  	[sflag:s25] =	ssyncset.done $0x0;
	s13 =	sadd.s32 s13, s26  }
0x97: {  	[sflag:s25] =	ssyncadd.s32 $0xFFFFD800;
	s25 =	sadd.s32 $0xFFFFFFFF, s5;
	s13 =	sshll.u32 s13, $0x4  }
0x98: {  	s26 =	rddreg [dreg:$0x10];
	p1 =	sgt.u32 s25, $0x4D;
	s13 =	sadd.s32 s28, s13  }
0x99: {  	s14 =	simm.s32 @!p1 $0xD;
	s25 =	sadd.s32 @!p1 s17, s16;
	s28 =	rddreg [dreg:$0x15]  }
0x9a: {  	[hbm:s13], [sflag:s28] =	dma.local [spmem:s26], $0x500  }
0x9b: {  	s13 =	sadd.s32 @!p1 $0x1400, s25;
	s25 =	sshrl.u32 @!p1 s10, $0x3;
	_ =	swait.ge @!p1 [sflag:s14], $0x500  }
0x9c: {  	s26 =	simm.s32 @!p1 $0x2880;
	s28 =	simm.s32 @!p1 $0x50;
	[sflag:s14] =	ssyncset.done @!p1 $0x0  }
0x9d: {  	s3 =	rddreg [dreg:$0xf];
	[sflag:s14] =	ssyncadd.s32 @!p1 $0xFFFFFB00;
	s14 =	sadd.s32 @!p1 $0x80, s29  }
0x9e: {  	[spmem:s25], [sflag:s3] =	dma.local @!p1 [hbm:s13], $0x500  }
0x9f: {  	[tilespmem:s26], [sflag:$0x5] =	stream.indirect.gather @!p1 [hbm4b:s2+s28], $0x80, s14, s28, $0xb8;
	[tilespmem:$0x16880] =	vst v63  }
0xa0: {  	_ =	swait.ge [sflag:s0], $0x500  }
0xa1: {  	[sflag:s0] =	ssyncset.done $0x0  }
0xa2: {  	[sflag:s0] =	ssyncadd.s32 $0xFFFFFB00  }
0xa3: {  	_ =	swait.ge [sflag:s22], $0x2800  }
0xa4: {  	[sflag:s22] =	ssyncset.done $0x0  }
0xa5: {  	s14 =	rddreg [dreg:$0xc];
	[sflag:s22] =	ssyncadd.s32 $0xFFFFD800  }
0xa6: {  	[spmem:s14] =	stream.indirect.scatter.add.f32 [tilespmem:s30], [sflag:$0xB], $0x80, s18, s20, $0xb8;
	[tilespmem:$0x16880] =	vst v63  }
0xa7: {  	p1 =	sgt.u32 s5, $0x4D;
	_ =	swait.ge [sflag:s6], $0x2800  }
0xa8: {  	s14 =	sadd.s32 @!p1 s17, s16;
	s25 =	rddreg [dreg:$0xa]  }
0xa9: {  	[sflag:s6] =	ssyncset.done $0x0;
	s28 =	rddreg [dreg:$0x16];
	s13 =	sadd.s32 s17, s25  }
0xaa: {  	[sflag:s6] =	ssyncadd.s32 $0xFFFFD800;
	s25 =	simm.s32 @!p1 $0xE;
	s26 =	sadd.s32 $0xA00, s13  }
0xab: {  	[hbm:s26], [sflag:s28] =	dma.local [spmem:s8], $0x500  }
0xac: {  	s14 =	sadd.s32 @!p1 $0x1900, s14;
	s17 =	simm.s32 @!p1 $0x5080;
	_ =	swait.ge @!p1 [sflag:s25], $0x500  }
0xad: {  	s26 =	sshrl.u32 @!p1 s11, $0x3;
	s28 =	simm.s32 @!p1 $0x50;
	[sflag:s25] =	ssyncset.done @!p1 $0x0  }
0xae: {  	s30 =	rddreg [dreg:$0xe];
	[sflag:s25] =	ssyncadd.s32 @!p1 $0xFFFFFB00;
	s25 =	sadd.s32 @!p1 $0x100, s29  }
0xaf: {  	[spmem:s26], [sflag:s30] =	dma.local @!p1 [hbm:s14], $0x500  }
0xb0: {  	[tilespmem:s17], [sflag:$0x6] =	stream.indirect.gather @!p1 [hbm4b:s2+s28], $0x80, s25, s28, $0xb8;
	[tilespmem:$0x16880] =	vst v63  }
0xb1: {  	s7 =	smov.u32 s4;
	s4 =	sadd.s32 $0x1400, s4;
	_ =	swait.ge [sflag:s9], $0x500  }
0xb2: {  	p0 =	sne.s32 s4, $0x19000;
	[sflag:s9] =	ssyncset.done $0x0  }
0xb3: {  	s21 =	smov.u32 s24;
	s24 =	smov.u32 s23;
	[sflag:s9] =	ssyncadd.s32 $0xFFFFFB00  }
.Ltmp0:
0xb4: {  	s1 =	sadd.s32 $0x140, s1;
	_ =	swait.ge [sflag:s12], $0x2800;
	(pc) =	sbr.rel @p0 .LBB2_2-.Ltmp0, $4  }
0xb5: {  	s5 =	sadd.s32 $0x4, s5;
	s13 =	sadd.s32 $0xF00, s13;
	[sflag:s12] =	ssyncset.done $0x0  }
0xb6: {  	s17 =	smov.u32 s7;
	s30 =	rddreg [dreg:$0xd];
	[sflag:s12] =	ssyncadd.s32 $0xFFFFD800  }
0xb7: {  	[spmem:s30] =	stream.indirect.scatter.add.f32 [tilespmem:s31], [sflag:$0xC], $0x80, s18, s20, $0xb8;
	[tilespmem:$0x16880] =	vst v63  }
0xb8: {  	s29 =	sadd.s32 $0x200, s29;
	p1 =	seq.s32 s17, $0x0;
	_ =	swait.ge [sflag:s15], $0x2800  }
0xb9: {  	[sflag:s15] =	ssyncset.done $0x0  }
0xba: {  	s4 =	simm.s32 @!p1 $0xF;
	[sflag:s15] =	ssyncadd.s32 $0xFFFFD800  }
0xbb: {  	[hbm:s13], [sflag:s21] =	dma.local [spmem:s19], $0x500  }
0xbc: {  	s13 =	sadd.s32 @!p1 s17, s16;
	_ =	swait.ge @!p1 [sflag:s4], $0x500  }
0xbd: {  	s13 =	sadd.s32 @!p1 $0xA00, s13;
	s7 =	rddreg [dreg:$0x6];
	[sflag:s4] =	ssyncset.done @!p1 $0x0  }
0xbe: {  	s3 =	rddreg [dreg:$0x12];
	[sflag:s4] =	ssyncadd.s32 @!p1 $0xFFFFFB00;
	s13 =	smov.u32 @p1 s7  }
0xbf: {  	[spmem:s8], [sflag:s3] =	dma.local [hbm:s13], $0x500  }
0xc0: {  	s23 =	simm.s32 $0x7880;
	s7 =	simm.s32 $0x1;
	s3 =	sadd.s32 $0xFFFFFF80, s29  }
0xc1: {  	[tilespmem:s23], [sflag:$0x7] =	stream.indirect.gather [hbm4b:s2+s20], $0x80, s3, s20, $0xb8;
	[tilespmem:$0x16880] =	vst v63  }
0xc2: {  	_ =	swait.ge [sflag:s7], $0x500  }
0xc3: {  	[sflag:s7] =	ssyncset.done $0x0  }
0xc4: {  	s13 =	simm.s32 $0x5;
	[sflag:s7] =	ssyncadd.s32 $0xFFFFFB00  }
0xc5: {  	_ =	swait.ge [sflag:s13], $0x2800  }
0xc6: {  	[sflag:s13] =	ssyncset.done $0x0  }
0xc7: {  	s14 =	simm.s32 $0x2880;
	s25 =	simm.s32 $0x9;
	[sflag:s13] =	ssyncadd.s32 $0xFFFFD800  }
0xc8: {  	[spmem:s10] =	stream.indirect.scatter.add.f32 [tilespmem:s14], [sflag:$0x9], $0x80, s18, s20, $0xb8;
	[tilespmem:$0x16880] =	vst v63  }
0xc9: {  	s1 =	simm.s32 @p1 $0x0;
	s21 =	rddreg [dreg:$0xb];
	_ =	swait.ge [sflag:s25], $0x2800  }
0xca: {  	s4 =	sadd.s32 s21, s1;
	[sflag:s25] =	ssyncset.done $0x0;
	s26 =	rddreg [dreg:$0x11]  }
0xcb: {  	s4 =	sshll.u32 s4, $0x4;
	s21 =	rddreg [dreg:$0x3]  }
0xcc: {  	s28 =	rddreg [dreg:$0x13];
	[sflag:s25] =	ssyncadd.s32 $0xFFFFD800;
	s4 =	sadd.s32 s21, s4  }
0xcd: {  	[hbm:s4], [sflag:s28] =	dma.local [spmem:s26], $0x500  }
0xce: {  	s4 =	simm.s32 @!p1 $0x10  }
0xcf: {  	_ =	swait.ge @!p1 [sflag:s4], $0x500  }
0xd0: {  	s7 =	rddreg [dreg:$0x7]  }
0xd1: {  	s13 =	rddreg [dreg:$0x8];
	[sflag:s4] =	ssyncset.done @!p1 $0x0;
	s7 =	sadd.s32 @!p1 s1, s7  }
0xd2: {  	s14 =	rddreg [dreg:$0x0];
	s7 =	sshll.u32 @!p1 s7, $0x4  }
0xd3: {  	s3 =	simm.s32 $0x2;
	s30 =	rddreg [dreg:$0x14];
	s7 =	sadd.s32 @!p1 s14, s7  }
0xd4: {  	[sflag:s4] =	ssyncadd.s32 @!p1 $0xFFFFFB00;
	s7 =	smov.u32 @p1 s13;
	s13 =	simm.s32 $0xA080  }
0xd5: {  	[spmem:s19], [sflag:s30] =	dma.local [hbm:s7], $0x500  }
0xd6: {  	[tilespmem:s13], [sflag:$0x8] =	stream.indirect.gather [hbm4b:s2+s20], $0x80, s29, s20, $0xb8;
	[tilespmem:$0x16880] =	vst v63  }
0xd7: {  	_ =	swait.ge [sflag:s3], $0x500  }
0xd8: {  	[sflag:s3] =	ssyncset.done $0x0  }
0xd9: {  	s7 =	simm.s32 $0x6;
	[sflag:s3] =	ssyncadd.s32 $0xFFFFFB00  }
0xda: {  	_ =	swait.ge [sflag:s7], $0x2800  }
0xdb: {  	[sflag:s7] =	ssyncset.done $0x0  }
0xdc: {  	s25 =	simm.s32 $0xA;
	s14 =	simm.s32 $0x5080;
	[sflag:s7] =	ssyncadd.s32 $0xFFFFD800  }
0xdd: {  	[spmem:s11] =	stream.indirect.scatter.add.f32 [tilespmem:s14], [sflag:$0xA], $0x80, s18, s20, $0xb8;
	[tilespmem:$0x16880] =	vst v63  }
0xde: {  	_ =	swait.ge [sflag:s25], $0x2800  }
0xdf: {  	s3 =	sadd.s32 $0xFFFFFFFF, s5;
	s26 =	rddreg [dreg:$0x9]  }
0xe0: {  	p0 =	sgt.u32 s3, $0x4D;
	s1 =	sadd.s32 s1, s26  }
0xe1: {  	[sflag:s25] =	ssyncset.done $0x0;
	s28 =	rddreg [dreg:$0x10];
	s1 =	sshll.u32 s1, $0x4  }
0xe2: {  	s30 =	rddreg [dreg:$0x15];
	[sflag:s25] =	ssyncadd.s32 $0xFFFFD800;
	s1 =	sadd.s32 s21, s1  }
0xe3: {  	[hbm:s1], [sflag:s30] =	dma.local [spmem:s28], $0x500  }
0xe4: {  	s1 =	simm.s32 @!p0 $0xD  }
0xe5: {  	s4 =	sadd.s32 @!p0 s17, s16;
	_ =	swait.ge @!p0 [sflag:s1], $0x500  }
0xe6: {  	s4 =	sadd.s32 @!p0 $0x1400, s4;
	[sflag:s1] =	ssyncset.done @!p0 $0x0  }
0xe7: {  	s3 =	rddreg [dreg:$0xf];
	[sflag:s1] =	ssyncadd.s32 @!p0 $0xFFFFFB00;
	s1 =	sshrl.u32 @!p0 s10, $0x3  }
0xe8: {  	[spmem:s1], [sflag:s3] =	dma.local @!p0 [hbm:s4], $0x500  }
0xe9: {  	s7 =	simm.s32 @!p0 $0x50;
	s1 =	simm.s32 @!p0 $0x2880;
	s4 =	sadd.s32 @!p0 $0x80, s29  }
0xea: {  	[tilespmem:s1], [sflag:$0x5] =	stream.indirect.gather @!p0 [hbm4b:s2+s7], $0x80, s4, s7, $0xb8;
	[tilespmem:$0x16880] =	vst v63  }
0xeb: {  	_ =	swait.ge [sflag:s0], $0x500  }
0xec: {  	[sflag:s0] =	ssyncset.done $0x0  }
0xed: {  	[sflag:s0] =	ssyncadd.s32 $0xFFFFFB00  }
0xee: {  	_ =	swait.ge [sflag:s22], $0x2800  }
0xef: {  	[sflag:s22] =	ssyncset.done $0x0  }
0xf0: {  	s4 =	rddreg [dreg:$0xc];
	[sflag:s22] =	ssyncadd.s32 $0xFFFFD800  }
0xf1: {  	[spmem:s4] =	stream.indirect.scatter.add.f32 [tilespmem:s23], [sflag:$0xB], $0x80, s18, s20, $0xb8;
	[tilespmem:$0x16880] =	vst v63  }
0xf2: {  	_ =	swait.ge [sflag:s6], $0x2800  }
0xf3: {  	p0 =	sgt.u32 s5, $0x4D;
	s7 =	rddreg [dreg:$0xa]  }
0xf4: {  	s4 =	simm.s32 @!p0 $0xE;
	[sflag:s6] =	ssyncset.done $0x0;
	s1 =	sadd.s32 s17, s7  }
0xf5: {  	s21 =	rddreg [dreg:$0x16];
	[sflag:s6] =	ssyncadd.s32 $0xFFFFD800;
	s14 =	sadd.s32 $0xA00, s1  }
0xf6: {  	[hbm:s14], [sflag:s21] =	dma.local [spmem:s8], $0x500  }
0xf7: {  	s5 =	sadd.s32 @!p0 s17, s16;
	_ =	swait.ge @!p0 [sflag:s4], $0x500  }
0xf8: {  	s5 =	sadd.s32 @!p0 $0x1900, s5;
	[sflag:s4] =	ssyncset.done @!p0 $0x0  }
0xf9: {  	s7 =	rddreg [dreg:$0xe];
	[sflag:s4] =	ssyncadd.s32 @!p0 $0xFFFFFB00;
	s4 =	sshrl.u32 @!p0 s11, $0x3  }
0xfa: {  	[spmem:s4], [sflag:s7] =	dma.local @!p0 [hbm:s5], $0x500  }
0xfb: {  	s4 =	simm.s32 @!p0 $0x5080;
	s5 =	sadd.s32 @!p0 $0x100, s29;
	s7 =	simm.s32 @!p0 $0x50  }
0xfc: {  	[tilespmem:s4], [sflag:$0x6] =	stream.indirect.gather @!p0 [hbm4b:s2+s7], $0x80, s5, s7, $0xb8;
	[tilespmem:$0x16880] =	vst v63  }
0xfd: {  	_ =	swait.ge [sflag:s9], $0x500  }
0xfe: {  	[sflag:s9] =	ssyncset.done $0x0  }
0xff: {  	[sflag:s9] =	ssyncadd.s32 $0xFFFFFB00  }
0x100: {  	_ =	swait.ge [sflag:s12], $0x2800  }
0x101: {  	[sflag:s12] =	ssyncset.done $0x0  }
0x102: {  	s23 =	rddreg [dreg:$0xd];
	[sflag:s12] =	ssyncadd.s32 $0xFFFFD800  }
0x103: {  	[spmem:s23] =	stream.indirect.scatter.add.f32 [tilespmem:s13], [sflag:$0xC], $0x80, s18, s20, $0xb8;
	[tilespmem:$0x16880] =	vst v63  }
0x104: {  	_ =	swait.ge [sflag:s15], $0x2800  }
0x105: {  	[sflag:s15] =	ssyncset.done $0x0  }
0x106: {  	s1 =	sadd.s32 $0xF00, s1;
	[sflag:s15] =	ssyncadd.s32 $0xFFFFD800  }
0x107: {  	[hbm:s1], [sflag:s24] =	dma.local [spmem:s19], $0x500  }
0x108: {  	s24 =	simm.s32 $0xD  }
0x109: {  	_ =	swait.ge [sflag:s24], $0x500  }
0x10a: {  	[sflag:s24] =	ssyncset.done $0x0  }
0x10b: {  	s25 =	simm.s32 $0xE;
	[sflag:s24] =	ssyncadd.s32 $0xFFFFFB00  }
0x10c: {  	_ =	swait.ge [sflag:s25], $0x500  }
0x10d: {  	[sflag:s25] =	ssyncset.done $0x0  }
0x10e: {  	s26 =	simm.s32 $0xF;
	[sflag:s25] =	ssyncadd.s32 $0xFFFFFB00  }
0x10f: {  	_ =	swait.ge [sflag:s26], $0x500  }
0x110: {  	[sflag:s26] =	ssyncset.done $0x0  }
0x111: {  	s28 =	simm.s32 $0x10;
	[sflag:s26] =	ssyncadd.s32 $0xFFFFFB00  }
0x112: {  	_ =	swait.ge [sflag:s28], $0x500  }
0x113: {  	s29 =	rddreg [dreg:$0x1d]  }
0x114: {  	s30 =	rddreg [dreg:$0x1b];
	s5 =	sadd.s32 $0x1, s29  }
0x115: {  	p0 =	sne.s32 s5, s30  }
.Ltmp1:
0x116: {  	_ = 	snop;
	(pc) =	sbr.rel @p0 .LBB2_1-.Ltmp1, $3  }
0x117: {  	_ =	sdelay $0x1  }
0x118: {  	[sflag:s28] =	ssyncset.done $0x0  }
0x119: {  	[sflag:s28] =	ssyncadd.s32 $0xFFFFFB00  }
0x11a: {  	_ =	sfence.sel $0x180000  }
0x11b: {  	[bflag:$0x0] =	sbarrier.arrive $0xFFFF  }
0x11c: {  	_ =	strace $0x90000047  }
0x11d: {  	s0 =	stileid.u32;
	[bflag:$0x2] =	sbarrier.arrive $0xFFFF  }
0x11e: {  	p0 =	sne.s32 s0, $0x0;
	s0 =	rddreg [dreg:$0x5]  }
0x11f: {  	s0 =	sadd.s32 @!p0 $0x100000, s0  }
0x120: {  	[sflag:s0] =	ssyncadd.tile.s32 @!p0 $0x1;
	_ =	shalt  }
.Lfunc_end2:
_tile_overlayer_lowered:
.L_overlay_start_2:
0x121: {  	(tag) =	ssettag $0x2  }
0x122: {  	s0 =	rddreg [dreg:$0x0];
	s2 =	stileid.u32  }
0x123: {  	s1 =	rddreg [dreg:$0x1];
	p0 =	sne.s32 s2, $0x0  }
0x124: {  	s3 =	rddreg [dreg:$0x2];
	[bflag:$0x3] =	sbarrier.arrive $0xFFFF;
	s2 =	simm.s32 @!p0 $0x1C11  }
0x125: {  	[timem:s3], [sflag:s2] =	dma.local @!p0 [hbm:s0], s1  }
0x126: {  	s0 =	simm.s32 @!p0 $0x11  }
0x127: {  	_ =	swait.ge @!p0 [sflag:s0], s1  }
0x128: {  	s1 =	ssub.s32 @!p0 $0x0, s1;
	[sflag:s0] =	ssyncset.done @!p0 $0x0  }
0x129: {  	[sflag:s0] =	ssyncadd.s32 @!p0 s1  }
0x12a: {  	[bflag:$0x3] =	sbarrier.arrive $0xFFFF  }
0x12b: {  	_ =	shalt  }

</sc_bundles>
